<compile_context>
chip_gen: v7x
topology: tpu7x:2x2x1
jax: 0.10.2.dev20260603
libtpu: 0.0.44.dev20260713+nightly
codegen_flags: <defaults>
</compile_context>

<pallas_src>
import functools

import jax
import jax.numpy as jnp
from jax import lax
from jax.experimental import pallas as pl
from jax.experimental.pallas import tpu as pltpu
from jax.experimental.pallas import tpu_sc as plsc

_D = 64
_L = 200
_B = 4096
_NW = 32
_ROWS = _B * _L
_RPW = _ROWS // _NW
_S = 4
_CH = _S * _L
_NCH = _RPW // _CH
_NV = _D // 16


def _add_pos(rows_v, pos_v):
    def lbody(l, carry):
        pvs = [pos_v[l, pl.ds(c * 16, 16)] for c in range(_NV)]
        for s in range(_S):
            r = s * _L + l
            for c in range(_NV):
                rows_v[r, pl.ds(c * 16, 16)] = (
                    rows_v[r, pl.ds(c * 16, 16)] + pvs[c]
                )
        return carry
    lax.fori_loop(0, _L, lbody, 0, unroll=2)


def _sc_body(x_hbm, tok_hbm, pos_hbm, out_hbm,
             pos_v, idx0, idx1, rows0, rows1,
             isem0, isem1, gsem0, gsem1, wsem0, wsem1):
    wid = lax.axis_index("s") * 2 + lax.axis_index("c")
    wbase = wid * _RPW

    bufs = ((idx0, rows0, isem0, gsem0, wsem0),
            (idx1, rows1, isem1, gsem1, wsem1))

    pltpu.sync_copy(pos_hbm, pos_v)

    def idx_start(g, idx_b, isem_b):
        pltpu.async_copy(x_hbm.at[pl.ds(wbase + g * _CH, _CH)], idx_b, isem_b)

    def idx_wait(g, idx_b, isem_b):
        pltpu.make_async_copy(
            x_hbm.at[pl.ds(wbase + g * _CH, _CH)], idx_b, isem_b).wait()

    def gather_start(idx_b, rows_b, gsem_b):
        pltpu.async_copy(tok_hbm.at[idx_b], rows_b, gsem_b)

    def gather_wait(idx_b, rows_b, gsem_b):
        pltpu.make_async_copy(tok_hbm.at[idx_b], rows_b, gsem_b).wait()

    def write_start(g, rows_b, wsem_b):
        pltpu.async_copy(
            rows_b, out_hbm.at[pl.ds(wbase + g * _CH, _CH), pl.ds(0, _D)],
            wsem_b)

    def write_wait(g, rows_b, wsem_b):
        pltpu.make_async_copy(
            rows_b, out_hbm.at[pl.ds(wbase + g * _CH, _CH), pl.ds(0, _D)],
            wsem_b).wait()

    idx_start(0, idx0, isem0)
    idx_wait(0, idx0, isem0)
    gather_start(idx0, rows0, gsem0)
    idx_start(1, idx1, isem1)

    def outer(i, carry):
        for b in range(2):
            g = i * 2 + b
            idx_b, rows_b, isem_b, gsem_b, wsem_b = bufs[b]
            idx_n, rows_n, isem_n, gsem_n, wsem_n = bufs[1 - b]

            @pl.when(g + 1 < _NCH)
            def _start_next_gather():
                @pl.when(g >= 1)
                def _drain():
                    write_wait(g - 1, rows_n, wsem_n)
                idx_wait(g + 1, idx_n, isem_n)
                gather_start(idx_n, rows_n, gsem_n)

            gather_wait(idx_b, rows_b, gsem_b)

            @pl.when(g + 2 < _NCH)
            def _start_next_idx():
                idx_start(g + 2, idx_b, isem_b)

            _add_pos(rows_b, pos_v)
            write_start(g, rows_b, wsem_b)
        return carry

    lax.fori_loop(0, _NCH // 2, outer, 0)

    write_wait(_NCH - 2, rows0, wsem0)
    write_wait(_NCH - 1, rows1, wsem1)


@jax.jit
def _sc_embed(x, token_table, pos_table):
    mesh = plsc.VectorSubcoreMesh(core_axis_name="c", subcore_axis_name="s")
    out = pl.kernel(
        _sc_body,
        mesh=mesh,
        out_type=jax.ShapeDtypeStruct((_ROWS, 128), jnp.float32),
        compiler_params=pltpu.CompilerParams(use_tc_tiling_on_sc=False),
        scratch_types=[
            pltpu.VMEM((_L, _D), jnp.float32),
            pltpu.VMEM((_CH,), jnp.int32),
            pltpu.VMEM((_CH,), jnp.int32),
            pltpu.VMEM((_CH, _D), jnp.float32),
            pltpu.VMEM((_CH, _D), jnp.float32),
            pltpu.SemaphoreType.DMA,
            pltpu.SemaphoreType.DMA,
            pltpu.SemaphoreType.DMA,
            pltpu.SemaphoreType.DMA,
            pltpu.SemaphoreType.DMA,
            pltpu.SemaphoreType.DMA,
        ],
    )(x.reshape(_ROWS), token_table, pos_table)
    return out[:, :_D].reshape(_B, _L, _D)


def kernel(x, token_table, pos_table):
    return _sc_embed(x, token_table, pos_table)

# --- scband reference (transcript-rebuilt; emitter-appended) ---
"""Pipeline reference for scband-token-and-position-embedding-33105607917938 (READ-ONLY COPY).

The authoritative reference and input builder live on the scoring server;
editing this copy changes nothing except your own understanding.
"""

import jax, jax.numpy as jnp
import numpy as np

VOCAB = 1000000
EMBED_DIM = 64
MAXLEN = 200
BATCH = 4096

def setup_inputs(seed: int = 0) -> dict:
    key = jax.random.key(seed)
    k1, k2, k3 = jax.random.split(key, 3)
    x = jax.random.randint(k1, (BATCH, MAXLEN), 0, VOCAB, dtype=jnp.int32)
    # token embedding table (initialized from a constant matrix in the original; frozen)
    token_table = jax.random.normal(k2, (VOCAB, EMBED_DIM), dtype=jnp.float32) * 0.02
    # position embedding table (trainable in the original)
    pos_table = jax.random.normal(k3, (MAXLEN, EMBED_DIM), dtype=jnp.float32) * 0.02
    return {"x": x, "token_table": token_table, "pos_table": pos_table}

def reference(x, token_table, pos_table):
    # token_emb(x)
    emb = jnp.take(token_table, x, axis=0)
    # positions = range(seq_len); pos_emb(positions)
    maxlen = x.shape[-1]
    positions = jnp.arange(0, maxlen, 1)
    pos = jnp.take(pos_table, positions, axis=0)
    return emb + pos

if __name__ == "__main__":
    import jax
    _d = setup_inputs()
    print(jax.jit(kernel)(*tuple(_d.values())))

</pallas_src>

<mosaic_0001>
#map = affine_map<(d0, d1) -> (0)>
#map1 = affine_map<(d0, d1) -> (0, 0)>
module attributes {stable_mosaic.version = 14 : i64} {
  func.func @_sc_body(%arg0: i32, %arg1: i32, %arg2: memref<819200xi32, #tpu.memory_space<hbm>>, %arg3: memref<1000000x64xf32, #tpu.memory_space<hbm>>, %arg4: memref<200x64xf32, #tpu.memory_space<hbm>>, %arg5: memref<819200x128xf32, #tpu.memory_space<hbm>>, %arg6: memref<200x64xf32, #tpu.memory_space<vmem>>, %arg7: memref<800xi32, #tpu.memory_space<vmem>>, %arg8: memref<800xi32, #tpu.memory_space<vmem>>, %arg9: memref<800x64xf32, #tpu.memory_space<vmem>>, %arg10: memref<800x64xf32, #tpu.memory_space<vmem>>, %arg11: memref<!tpu.dma_semaphore, #tpu.memory_space<semaphore_mem>>, %arg12: memref<!tpu.dma_semaphore, #tpu.memory_space<semaphore_mem>>, %arg13: memref<!tpu.dma_semaphore, #tpu.memory_space<semaphore_mem>>, %arg14: memref<!tpu.dma_semaphore, #tpu.memory_space<semaphore_mem>>, %arg15: memref<!tpu.dma_semaphore, #tpu.memory_space<semaphore_mem>>, %arg16: memref<!tpu.dma_semaphore, #tpu.memory_space<semaphore_mem>>) attributes {dimension_semantics = [#tpu.dimension_semantics<core_parallel>, #tpu.dimension_semantics<subcore_parallel>], iteration_bounds = array<i64: 2, 16>, scalar_prefetch = 0 : i64, scratch_operands = 11 : i64, tpu.core_type = #tpu.core_type<sc_vector_subcore>, window_params = [{transform_indices = #map}, {transform_indices = #map1}, {transform_indices = #map1}, {transform_indices = #map1}]} {
    %mul3A = arith.constant 2 : i32
    %mul3A_0 = arith.muli %arg1, %mul3A : i32
    %add3A = arith.addi %mul3A_0, %arg0 : i32
    %mul3A_1 = arith.constant 25600 : i32
    %mul3A_2 = arith.muli %add3A, %mul3A_1 : i32
    "tpu.region"() ({
      %run_scoped3A = tpu.sem_alloc : memref<!tpu.dma_semaphore, #tpu.memory_space<semaphore_mem>>
      tpu.enqueue_dma source(%arg4 : memref<200x64xf32, #tpu.memory_space<hbm>>) target(%arg6 : memref<200x64xf32, #tpu.memory_space<vmem>>) target_semaphore(%run_scoped3A : memref<!tpu.dma_semaphore, #tpu.memory_space<semaphore_mem>>)
      tpu.wait_dma2 semaphore(%run_scoped3A : memref<!tpu.dma_semaphore, #tpu.memory_space<semaphore_mem>>) src(%arg4 : memref<200x64xf32, #tpu.memory_space<hbm>>) dst(%arg6 : memref<200x64xf32, #tpu.memory_space<vmem>>)
      tpu.yield
    }) : () -> ()
    %add3A_3 = arith.constant 0 : i32
    %add3A_4 = arith.addi %mul3A_2, %add3A_3 : i32
    %dma_start3A = tpu.memref_slice %arg2[%add3A_4] : memref<819200xi32, #tpu.memory_space<hbm>> -> memref<800xi32, #tpu.memory_space<hbm>>
    %dma_start3A_5 = tpu.memref_slice %arg2[%add3A_4] : memref<819200xi32, #tpu.memory_space<hbm>> -> memref<800xi32, #tpu.memory_space<hbm>>
    tpu.enqueue_dma source(%dma_start3A_5 : memref<800xi32, #tpu.memory_space<hbm>>) target(%arg7 : memref<800xi32, #tpu.memory_space<vmem>>) target_semaphore(%arg11 : memref<!tpu.dma_semaphore, #tpu.memory_space<semaphore_mem>>)
    %add3A_6 = arith.constant 0 : i32
    %add3A_7 = arith.addi %mul3A_2, %add3A_6 : i32
    %dma_wait3A = tpu.memref_slice %arg2[%add3A_7] : memref<819200xi32, #tpu.memory_space<hbm>> -> memref<800xi32, #tpu.memory_space<hbm>>
    %dma_wait3A_8 = tpu.memref_slice %arg2[%add3A_7] : memref<819200xi32, #tpu.memory_space<hbm>> -> memref<800xi32, #tpu.memory_space<hbm>>
    tpu.wait_dma2 semaphore(%arg11 : memref<!tpu.dma_semaphore, #tpu.memory_space<semaphore_mem>>) src(%dma_wait3A_8 : memref<800xi32, #tpu.memory_space<hbm>>) dst(%arg7 : memref<800xi32, #tpu.memory_space<vmem>>)
    %dma_start3A_9 = arith.constant 0 : i32
    %dma_start3A_10 = arith.constant 0 : i32
    %dma_start3A_11 = tpu.memref_slice %arg3[%dma_start3A_9, %dma_start3A_10] : memref<1000000x64xf32, #tpu.memory_space<hbm>> -> memref<1000000x64xf32, #tpu.memory_space<hbm>>
    tpu.enqueue_indirect_dma source(%dma_start3A_11 : memref<1000000x64xf32, #tpu.memory_space<hbm>>) target(%arg9 : memref<800x64xf32, #tpu.memory_space<vmem>>) offsets(%arg7 : memref<800xi32, #tpu.memory_space<vmem>>) semaphore(%arg13 : memref<!tpu.dma_semaphore, #tpu.memory_space<semaphore_mem>>)
    %add3A_12 = arith.constant 800 : i32
    %add3A_13 = arith.addi %mul3A_2, %add3A_12 : i32
    %dma_start3A_14 = tpu.memref_slice %arg2[%add3A_13] : memref<819200xi32, #tpu.memory_space<hbm>> -> memref<800xi32, #tpu.memory_space<hbm>>
    %dma_start3A_15 = tpu.memref_slice %arg2[%add3A_13] : memref<819200xi32, #tpu.memory_space<hbm>> -> memref<800xi32, #tpu.memory_space<hbm>>
    tpu.enqueue_dma source(%dma_start3A_15 : memref<800xi32, #tpu.memory_space<hbm>>) target(%arg8 : memref<800xi32, #tpu.memory_space<vmem>>) target_semaphore(%arg12 : memref<!tpu.dma_semaphore, #tpu.memory_space<semaphore_mem>>)
    %scan3A = arith.constant 0 : i32
    %scan3A_16 = arith.constant 0 : i32
    %scan3A_17 = arith.constant 16 : i32
    %scan3A_18 = arith.addi %scan3A_16, %scan3A_17 : i32
    %scan3A_19 = arith.constant 1 : i32
    scf.for %scan3A_33 = %scan3A_16 to %scan3A_18 step %scan3A_19  : i32 {
      %mul3A_34 = arith.constant 2 : i32
      %mul3A_35 = arith.muli %scan3A_33, %mul3A_34 : i32
      %add3A_36 = arith.constant 0 : i32
      %add3A_37 = arith.addi %mul3A_35, %add3A_36 : i32
      %add3A_38 = arith.constant 1 : i32
      %add3A_39 = arith.addi %add3A_37, %add3A_38 : i32
      %lt3A = arith.constant 32 : i32
      %lt3A_40 = arith.cmpi slt, %add3A_39, %lt3A : i32
      %convert_element_type3A = arith.extui %lt3A_40 : i1 to i32
      %cond3A = arith.constant 0 : i32
      %cond3A_41 = arith.cmpi ne, %convert_element_type3A, %cond3A : i32
      scf.if %cond3A_41 {
        %ge3A = arith.constant 1 : i32
        %ge3A_99 = arith.cmpi sge, %add3A_37, %ge3A : i32
        %convert_element_type3A_100 = arith.extui %ge3A_99 : i1 to i32
        %cond3A_101 = arith.constant 0 : i32
        %cond3A_102 = arith.cmpi ne, %convert_element_type3A_100, %cond3A_101 : i32
        scf.if %cond3A_102 {
          %sub3A = arith.constant 1 : i32
          %sub3A_113 = arith.subi %add3A_37, %sub3A : i32
          %mul3A_114 = arith.constant 800 : i32
          %mul3A_115 = arith.muli %sub3A_113, %mul3A_114 : i32
          %add3A_116 = arith.addi %mul3A_2, %mul3A_115 : i32
          %dma_wait3A_117 = arith.constant 0 : i32
          %dma_wait3A_118 = tpu.memref_slice %arg5[%add3A_116, %dma_wait3A_117] : memref<819200x128xf32, #tpu.memory_space<hbm>> -> memref<800x64xf32, #tpu.memory_space<hbm>>
          %dma_wait3A_119 = arith.constant 0 : i32
          %dma_wait3A_120 = tpu.memref_slice %arg5[%add3A_116, %dma_wait3A_119] : memref<819200x128xf32, #tpu.memory_space<hbm>> -> memref<800x64xf32, #tpu.memory_space<hbm>>
          tpu.wait_dma2 semaphore(%arg16 : memref<!tpu.dma_semaphore, #tpu.memory_space<semaphore_mem>>) src(%arg10 : memref<800x64xf32, #tpu.memory_space<vmem>>) dst(%dma_wait3A_120 : memref<800x64xf32, #tpu.memory_space<hbm>>)
        } else {
        }
        %add3A_103 = arith.constant 1 : i32
        %add3A_104 = arith.addi %add3A_37, %add3A_103 : i32
        %mul3A_105 = arith.constant 800 : i32
        %mul3A_106 = arith.muli %add3A_104, %mul3A_105 : i32
        %add3A_107 = arith.addi %mul3A_2, %mul3A_106 : i32
        %dma_wait3A_108 = tpu.memref_slice %arg2[%add3A_107] : memref<819200xi32, #tpu.memory_space<hbm>> -> memref<800xi32, #tpu.memory_space<hbm>>
        %dma_wait3A_109 = tpu.memref_slice %arg2[%add3A_107] : memref<819200xi32, #tpu.memory_space<hbm>> -> memref<800xi32, #tpu.memory_space<hbm>>
        tpu.wait_dma2 semaphore(%arg12 : memref<!tpu.dma_semaphore, #tpu.memory_space<semaphore_mem>>) src(%dma_wait3A_109 : memref<800xi32, #tpu.memory_space<hbm>>) dst(%arg8 : memref<800xi32, #tpu.memory_space<vmem>>)
        %dma_start3A_110 = arith.constant 0 : i32
        %dma_start3A_111 = arith.constant 0 : i32
        %dma_start3A_112 = tpu.memref_slice %arg3[%dma_start3A_110, %dma_start3A_111] : memref<1000000x64xf32, #tpu.memory_space<hbm>> -> memref<1000000x64xf32, #tpu.memory_space<hbm>>
        tpu.enqueue_indirect_dma source(%dma_start3A_112 : memref<1000000x64xf32, #tpu.memory_space<hbm>>) target(%arg10 : memref<800x64xf32, #tpu.memory_space<vmem>>) offsets(%arg8 : memref<800xi32, #tpu.memory_space<vmem>>) semaphore(%arg14 : memref<!tpu.dma_semaphore, #tpu.memory_space<semaphore_mem>>)
      } else {
      }
      %dma_wait3A_42 = arith.constant 0 : i32
      %dma_wait3A_43 = arith.constant 0 : i32
      %dma_wait3A_44 = tpu.memref_slice %arg3[%dma_wait3A_42, %dma_wait3A_43] : memref<1000000x64xf32, #tpu.memory_space<hbm>> -> memref<1000000x64xf32, #tpu.memory_space<hbm>>
      tpu.wait_indirect_dma semaphore(%arg13 : memref<!tpu.dma_semaphore, #tpu.memory_space<semaphore_mem>>) src(%dma_wait3A_44 : memref<1000000x64xf32, #tpu.memory_space<hbm>>) dst(%arg9 : memref<800x64xf32, #tpu.memory_space<vmem>>)
      %add3A_45 = arith.constant 2 : i32
      %add3A_46 = arith.addi %add3A_37, %add3A_45 : i32
      %lt3A_47 = arith.constant 32 : i32
      %lt3A_48 = arith.cmpi slt, %add3A_46, %lt3A_47 : i32
      %convert_element_type3A_49 = arith.extui %lt3A_48 : i1 to i32
      %cond3A_50 = arith.constant 0 : i32
      %cond3A_51 = arith.cmpi ne, %convert_element_type3A_49, %cond3A_50 : i32
      scf.if %cond3A_51 {
        %add3A_99 = arith.constant 2 : i32
        %add3A_100 = arith.addi %add3A_37, %add3A_99 : i32
        %mul3A_101 = arith.constant 800 : i32
        %mul3A_102 = arith.muli %add3A_100, %mul3A_101 : i32
        %add3A_103 = arith.addi %mul3A_2, %mul3A_102 : i32
        %dma_start3A_104 = tpu.memref_slice %arg2[%add3A_103] : memref<819200xi32, #tpu.memory_space<hbm>> -> memref<800xi32, #tpu.memory_space<hbm>>
        %dma_start3A_105 = tpu.memref_slice %arg2[%add3A_103] : memref<819200xi32, #tpu.memory_space<hbm>> -> memref<800xi32, #tpu.memory_space<hbm>>
        tpu.enqueue_dma source(%dma_start3A_105 : memref<800xi32, #tpu.memory_space<hbm>>) target(%arg7 : memref<800xi32, #tpu.memory_space<vmem>>) target_semaphore(%arg11 : memref<!tpu.dma_semaphore, #tpu.memory_space<semaphore_mem>>)
      } else {
      }
      %scan3A_52 = arith.constant 0 : i32
      %scan3A_53 = arith.constant 0 : i32
      %scan3A_54 = arith.constant 200 : i32
      %scan3A_55 = arith.addi %scan3A_53, %scan3A_54 : i32
      %scan3A_56 = arith.constant 2 : i32
      scf.for %scan3A_99 = %scan3A_53 to %scan3A_55 step %scan3A_56  : i32 {
        %get3A = arith.index_cast %scan3A_99 : i32 to index
        %get3A_100 = arith.constant 0 : index
        %get3A_101 = tpu.vector_load %arg6[%get3A, %get3A_100] {strides = array<i32>} : memref<200x64xf32, #tpu.memory_space<vmem>>, vector<1x16xf32>,
        %get3A_102 = vector.shape_cast %get3A_101 : vector<1x16xf32> to vector<16xf32>
        %get3A_103 = arith.index_cast %scan3A_99 : i32 to index
        %get3A_104 = arith.constant 16 : index
        %get3A_105 = tpu.vector_load %arg6[%get3A_103, %get3A_104] {strides = array<i32>} : memref<200x64xf32, #tpu.memory_space<vmem>>, vector<1x16xf32>,
        %get3A_106 = vector.shape_cast %get3A_105 : vector<1x16xf32> to vector<16xf32>
        %get3A_107 = arith.index_cast %scan3A_99 : i32 to index
        %get3A_108 = arith.constant 32 : index
        %get3A_109 = tpu.vector_load %arg6[%get3A_107, %get3A_108] {strides = array<i32>} : memref<200x64xf32, #tpu.memory_space<vmem>>, vector<1x16xf32>,
        %get3A_110 = vector.shape_cast %get3A_109 : vector<1x16xf32> to vector<16xf32>
        %get3A_111 = arith.index_cast %scan3A_99 : i32 to index
        %get3A_112 = arith.constant 48 : index
        %get3A_113 = tpu.vector_load %arg6[%get3A_111, %get3A_112] {strides = array<i32>} : memref<200x64xf32, #tpu.memory_space<vmem>>, vector<1x16xf32>,
        %get3A_114 = vector.shape_cast %get3A_113 : vector<1x16xf32> to vector<16xf32>
        %add3A_115 = arith.constant 0 : i32
        %add3A_116 = arith.addi %add3A_115, %scan3A_99 : i32
        %get3A_117 = arith.index_cast %add3A_116 : i32 to index
        %get3A_118 = arith.constant 0 : index
        %get3A_119 = tpu.vector_load %arg9[%get3A_117, %get3A_118] {strides = array<i32>} : memref<800x64xf32, #tpu.memory_space<vmem>>, vector<1x16xf32>,
        %get3A_120 = vector.shape_cast %get3A_119 : vector<1x16xf32> to vector<16xf32>
        %add3A_121 = arith.addf %get3A_120, %get3A_102 : vector<16xf32>
        %swap3A = arith.index_cast %add3A_116 : i32 to index
        %swap3A_122 = arith.constant 0 : index
        %swap3A_123 = tpu.vector_load %arg9[%swap3A, %swap3A_122] {strides = array<i32>} : memref<800x64xf32, #tpu.memory_space<vmem>>, vector<1x16xf32>,
        %swap3A_124 = vector.shape_cast %swap3A_123 : vector<1x16xf32> to vector<16xf32>
        %swap3A_125 = vector.shape_cast %add3A_121 : vector<16xf32> to vector<1x16xf32>
        tpu.vector_store %arg9[%swap3A, %swap3A_122], %swap3A_125 {strides = array<i32>} : memref<800x64xf32, #tpu.memory_space<vmem>>, vector<1x16xf32>,
        %get3A_126 = arith.index_cast %add3A_116 : i32 to index
        %get3A_127 = arith.constant 16 : index
        %get3A_128 = tpu.vector_load %arg9[%get3A_126, %get3A_127] {strides = array<i32>} : memref<800x64xf32, #tpu.memory_space<vmem>>, vector<1x16xf32>,
        %get3A_129 = vector.shape_cast %get3A_128 : vector<1x16xf32> to vector<16xf32>
        %add3A_130 = arith.addf %get3A_129, %get3A_106 : vector<16xf32>
        %swap3A_131 = arith.index_cast %add3A_116 : i32 to index
        %swap3A_132 = arith.constant 16 : index
        %swap3A_133 = tpu.vector_load %arg9[%swap3A_131, %swap3A_132] {strides = array<i32>} : memref<800x64xf32, #tpu.memory_space<vmem>>, vector<1x16xf32>,
        %swap3A_134 = vector.shape_cast %swap3A_133 : vector<1x16xf32> to vector<16xf32>
        %swap3A_135 = vector.shape_cast %add3A_130 : vector<16xf32> to vector<1x16xf32>
        tpu.vector_store %arg9[%swap3A_131, %swap3A_132], %swap3A_135 {strides = array<i32>} : memref<800x64xf32, #tpu.memory_space<vmem>>, vector<1x16xf32>,
        %get3A_136 = arith.index_cast %add3A_116 : i32 to index
        %get3A_137 = arith.constant 32 : index
        %get3A_138 = tpu.vector_load %arg9[%get3A_136, %get3A_137] {strides = array<i32>} : memref<800x64xf32, #tpu.memory_space<vmem>>, vector<1x16xf32>,
        %get3A_139 = vector.shape_cast %get3A_138 : vector<1x16xf32> to vector<16xf32>
        %add3A_140 = arith.addf %get3A_139, %get3A_110 : vector<16xf32>
        %swap3A_141 = arith.index_cast %add3A_116 : i32 to index
        %swap3A_142 = arith.constant 32 : index
        %swap3A_143 = tpu.vector_load %arg9[%swap3A_141, %swap3A_142] {strides = array<i32>} : memref<800x64xf32, #tpu.memory_space<vmem>>, vector<1x16xf32>,
        %swap3A_144 = vector.shape_cast %swap3A_143 : vector<1x16xf32> to vector<16xf32>
        %swap3A_145 = vector.shape_cast %add3A_140 : vector<16xf32> to vector<1x16xf32>
        tpu.vector_store %arg9[%swap3A_141, %swap3A_142], %swap3A_145 {strides = array<i32>} : memref<800x64xf32, #tpu.memory_space<vmem>>, vector<1x16xf32>,
        %get3A_146 = arith.index_cast %add3A_116 : i32 to index
        %get3A_147 = arith.constant 48 : index
        %get3A_148 = tpu.vector_load %arg9[%get3A_146, %get3A_147] {strides = array<i32>} : memref<800x64xf32, #tpu.memory_space<vmem>>, vector<1x16xf32>,
        %get3A_149 = vector.shape_cast %get3A_148 : vector<1x16xf32> to vector<16xf32>
        %add3A_150 = arith.addf %get3A_149, %get3A_114 : vector<16xf32>
        %swap3A_151 = arith.index_cast %add3A_116 : i32 to index
        %swap3A_152 = arith.constant 48 : index
        %swap3A_153 = tpu.vector_load %arg9[%swap3A_151, %swap3A_152] {strides = array<i32>} : memref<800x64xf32, #tpu.memory_space<vmem>>, vector<1x16xf32>,
        %swap3A_154 = vector.shape_cast %swap3A_153 : vector<1x16xf32> to vector<16xf32>
        %swap3A_155 = vector.shape_cast %add3A_150 : vector<16xf32> to vector<1x16xf32>
        tpu.vector_store %arg9[%swap3A_151, %swap3A_152], %swap3A_155 {strides = array<i32>} : memref<800x64xf32, #tpu.memory_space<vmem>>, vector<1x16xf32>,
        %add3A_156 = arith.constant 200 : i32
        %add3A_157 = arith.addi %add3A_156, %scan3A_99 : i32
        %get3A_158 = arith.index_cast %add3A_157 : i32 to index
        %get3A_159 = arith.constant 0 : index
        %get3A_160 = tpu.vector_load %arg9[%get3A_158, %get3A_159] {strides = array<i32>} : memref<800x64xf32, #tpu.memory_space<vmem>>, vector<1x16xf32>,
        %get3A_161 = vector.shape_cast %get3A_160 : vector<1x16xf32> to vector<16xf32>
        %add3A_162 = arith.addf %get3A_161, %get3A_102 : vector<16xf32>
        %swap3A_163 = arith.index_cast %add3A_157 : i32 to index
        %swap3A_164 = arith.constant 0 : index
        %swap3A_165 = tpu.vector_load %arg9[%swap3A_163, %swap3A_164] {strides = array<i32>} : memref<800x64xf32, #tpu.memory_space<vmem>>, vector<1x16xf32>,
        %swap3A_166 = vector.shape_cast %swap3A_165 : vector<1x16xf32> to vector<16xf32>
        %swap3A_167 = vector.shape_cast %add3A_162 : vector<16xf32> to vector<1x16xf32>
        tpu.vector_store %arg9[%swap3A_163, %swap3A_164], %swap3A_167 {strides = array<i32>} : memref<800x64xf32, #tpu.memory_space<vmem>>, vector<1x16xf32>,
        %get3A_168 = arith.index_cast %add3A_157 : i32 to index
        %get3A_169 = arith.constant 16 : index
        %get3A_170 = tpu.vector_load %arg9[%get3A_168, %get3A_169] {strides = array<i32>} : memref<800x64xf32, #tpu.memory_space<vmem>>, vector<1x16xf32>,
        %get3A_171 = vector.shape_cast %get3A_170 : vector<1x16xf32> to vector<16xf32>
        %add3A_172 = arith.addf %get3A_171, %get3A_106 : vector<16xf32>
        %swap3A_173 = arith.index_cast %add3A_157 : i32 to index
        %swap3A_174 = arith.constant 16 : index
        %swap3A_175 = tpu.vector_load %arg9[%swap3A_173, %swap3A_174] {strides = array<i32>} : memref<800x64xf32, #tpu.memory_space<vmem>>, vector<1x16xf32>,
        %swap3A_176 = vector.shape_cast %swap3A_175 : vector<1x16xf32> to vector<16xf32>
        %swap3A_177 = vector.shape_cast %add3A_172 : vector<16xf32> to vector<1x16xf32>
        tpu.vector_store %arg9[%swap3A_173, %swap3A_174], %swap3A_177 {strides = array<i32>} : memref<800x64xf32, #tpu.memory_space<vmem>>, vector<1x16xf32>,
        %get3A_178 = arith.index_cast %add3A_157 : i32 to index
        %get3A_179 = arith.constant 32 : index
        %get3A_180 = tpu.vector_load %arg9[%get3A_178, %get3A_179] {strides = array<i32>} : memref<800x64xf32, #tpu.memory_space<vmem>>, vector<1x16xf32>,
        %get3A_181 = vector.shape_cast %get3A_180 : vector<1x16xf32> to vector<16xf32>
        %add3A_182 = arith.addf %get3A_181, %get3A_110 : vector<16xf32>
        %swap3A_183 = arith.index_cast %add3A_157 : i32 to index
        %swap3A_184 = arith.constant 32 : index
        %swap3A_185 = tpu.vector_load %arg9[%swap3A_183, %swap3A_184] {strides = array<i32>} : memref<800x64xf32, #tpu.memory_space<vmem>>, vector<1x16xf32>,
        %swap3A_186 = vector.shape_cast %swap3A_185 : vector<1x16xf32> to vector<16xf32>
        %swap3A_187 = vector.shape_cast %add3A_182 : vector<16xf32> to vector<1x16xf32>
        tpu.vector_store %arg9[%swap3A_183, %swap3A_184], %swap3A_187 {strides = array<i32>} : memref<800x64xf32, #tpu.memory_space<vmem>>, vector<1x16xf32>,
        %get3A_188 = arith.index_cast %add3A_157 : i32 to index
        %get3A_189 = arith.constant 48 : index
        %get3A_190 = tpu.vector_load %arg9[%get3A_188, %get3A_189] {strides = array<i32>} : memref<800x64xf32, #tpu.memory_space<vmem>>, vector<1x16xf32>,
        %get3A_191 = vector.shape_cast %get3A_190 : vector<1x16xf32> to vector<16xf32>
        %add3A_192 = arith.addf %get3A_191, %get3A_114 : vector<16xf32>
        %swap3A_193 = arith.index_cast %add3A_157 : i32 to index
        %swap3A_194 = arith.constant 48 : index
        %swap3A_195 = tpu.vector_load %arg9[%swap3A_193, %swap3A_194] {strides = array<i32>} : memref<800x64xf32, #tpu.memory_space<vmem>>, vector<1x16xf32>,
        %swap3A_196 = vector.shape_cast %swap3A_195 : vector<1x16xf32> to vector<16xf32>
        %swap3A_197 = vector.shape_cast %add3A_192 : vector<16xf32> to vector<1x16xf32>
        tpu.vector_store %arg9[%swap3A_193, %swap3A_194], %swap3A_197 {strides = array<i32>} : memref<800x64xf32, #tpu.memory_space<vmem>>, vector<1x16xf32>,
        %add3A_198 = arith.constant 400 : i32
        %add3A_199 = arith.addi %add3A_198, %scan3A_99 : i32
        %get3A_200 = arith.index_cast %add3A_199 : i32 to index
        %get3A_201 = arith.constant 0 : index
        %get3A_202 = tpu.vector_load %arg9[%get3A_200, %get3A_201] {strides = array<i32>} : memref<800x64xf32, #tpu.memory_space<vmem>>, vector<1x16xf32>,
        %get3A_203 = vector.shape_cast %get3A_202 : vector<1x16xf32> to vector<16xf32>
        %add3A_204 = arith.addf %get3A_203, %get3A_102 : vector<16xf32>
        %swap3A_205 = arith.index_cast %add3A_199 : i32 to index
        %swap3A_206 = arith.constant 0 : index
        %swap3A_207 = tpu.vector_load %arg9[%swap3A_205, %swap3A_206] {strides = array<i32>} : memref<800x64xf32, #tpu.memory_space<vmem>>, vector<1x16xf32>,
        %swap3A_208 = vector.shape_cast %swap3A_207 : vector<1x16xf32> to vector<16xf32>
        %swap3A_209 = vector.shape_cast %add3A_204 : vector<16xf32> to vector<1x16xf32>
        tpu.vector_store %arg9[%swap3A_205, %swap3A_206], %swap3A_209 {strides = array<i32>} : memref<800x64xf32, #tpu.memory_space<vmem>>, vector<1x16xf32>,
        %get3A_210 = arith.index_cast %add3A_199 : i32 to index
        %get3A_211 = arith.constant 16 : index
        %get3A_212 = tpu.vector_load %arg9[%get3A_210, %get3A_211] {strides = array<i32>} : memref<800x64xf32, #tpu.memory_space<vmem>>, vector<1x16xf32>,
        %get3A_213 = vector.shape_cast %get3A_212 : vector<1x16xf32> to vector<16xf32>
        %add3A_214 = arith.addf %get3A_213, %get3A_106 : vector<16xf32>
        %swap3A_215 = arith.index_cast %add3A_199 : i32 to index
        %swap3A_216 = arith.constant 16 : index
        %swap3A_217 = tpu.vector_load %arg9[%swap3A_215, %swap3A_216] {strides = array<i32>} : memref<800x64xf32, #tpu.memory_space<vmem>>, vector<1x16xf32>,
        %swap3A_218 = vector.shape_cast %swap3A_217 : vector<1x16xf32> to vector<16xf32>
        %swap3A_219 = vector.shape_cast %add3A_214 : vector<16xf32> to vector<1x16xf32>
        tpu.vector_store %arg9[%swap3A_215, %swap3A_216], %swap3A_219 {strides = array<i32>} : memref<800x64xf32, #tpu.memory_space<vmem>>, vector<1x16xf32>,
        %get3A_220 = arith.index_cast %add3A_199 : i32 to index
        %get3A_221 = arith.constant 32 : index
        %get3A_222 = tpu.vector_load %arg9[%get3A_220, %get3A_221] {strides = array<i32>} : memref<800x64xf32, #tpu.memory_space<vmem>>, vector<1x16xf32>,
        %get3A_223 = vector.shape_cast %get3A_222 : vector<1x16xf32> to vector<16xf32>
        %add3A_224 = arith.addf %get3A_223, %get3A_110 : vector<16xf32>
        %swap3A_225 = arith.index_cast %add3A_199 : i32 to index
        %swap3A_226 = arith.constant 32 : index
        %swap3A_227 = tpu.vector_load %arg9[%swap3A_225, %swap3A_226] {strides = array<i32>} : memref<800x64xf32, #tpu.memory_space<vmem>>, vector<1x16xf32>,
        %swap3A_228 = vector.shape_cast %swap3A_227 : vector<1x16xf32> to vector<16xf32>
        %swap3A_229 = vector.shape_cast %add3A_224 : vector<16xf32> to vector<1x16xf32>
        tpu.vector_store %arg9[%swap3A_225, %swap3A_226], %swap3A_229 {strides = array<i32>} : memref<800x64xf32, #tpu.memory_space<vmem>>, vector<1x16xf32>,
        %get3A_230 = arith.index_cast %add3A_199 : i32 to index
        %get3A_231 = arith.constant 48 : index
        %get3A_232 = tpu.vector_load %arg9[%get3A_230, %get3A_231] {strides = array<i32>} : memref<800x64xf32, #tpu.memory_space<vmem>>, vector<1x16xf32>,
        %get3A_233 = vector.shape_cast %get3A_232 : vector<1x16xf32> to vector<16xf32>
        %add3A_234 = arith.addf %get3A_233, %get3A_114 : vector<16xf32>
        %swap3A_235 = arith.index_cast %add3A_199 : i32 to index
        %swap3A_236 = arith.constant 48 : index
        %swap3A_237 = tpu.vector_load %arg9[%swap3A_235, %swap3A_236] {strides = array<i32>} : memref<800x64xf32, #tpu.memory_space<vmem>>, vector<1x16xf32>,
        %swap3A_238 = vector.shape_cast %swap3A_237 : vector<1x16xf32> to vector<16xf32>
        %swap3A_239 = vector.shape_cast %add3A_234 : vector<16xf32> to vector<1x16xf32>
        tpu.vector_store %arg9[%swap3A_235, %swap3A_236], %swap3A_239 {strides = array<i32>} : memref<800x64xf32, #tpu.memory_space<vmem>>, vector<1x16xf32>,
        %add3A_240 = arith.constant 600 : i32
        %add3A_241 = arith.addi %add3A_240, %scan3A_99 : i32
        %get3A_242 = arith.index_cast %add3A_241 : i32 to index
        %get3A_243 = arith.constant 0 : index
        %get3A_244 = tpu.vector_load %arg9[%get3A_242, %get3A_243] {strides = array<i32>} : memref<800x64xf32, #tpu.memory_space<vmem>>, vector<1x16xf32>,
        %get3A_245 = vector.shape_cast %get3A_244 : vector<1x16xf32> to vector<16xf32>
        %add3A_246 = arith.addf %get3A_245, %get3A_102 : vector<16xf32>
        %swap3A_247 = arith.index_cast %add3A_241 : i32 to index
        %swap3A_248 = arith.constant 0 : index
        %swap3A_249 = tpu.vector_load %arg9[%swap3A_247, %swap3A_248] {strides = array<i32>} : memref<800x64xf32, #tpu.memory_space<vmem>>, vector<1x16xf32>,
        %swap3A_250 = vector.shape_cast %swap3A_249 : vector<1x16xf32> to vector<16xf32>
        %swap3A_251 = vector.shape_cast %add3A_246 : vector<16xf32> to vector<1x16xf32>
        tpu.vector_store %arg9[%swap3A_247, %swap3A_248], %swap3A_251 {strides = array<i32>} : memref<800x64xf32, #tpu.memory_space<vmem>>, vector<1x16xf32>,
        %get3A_252 = arith.index_cast %add3A_241 : i32 to index
        %get3A_253 = arith.constant 16 : index
        %get3A_254 = tpu.vector_load %arg9[%get3A_252, %get3A_253] {strides = array<i32>} : memref<800x64xf32, #tpu.memory_space<vmem>>, vector<1x16xf32>,
        %get3A_255 = vector.shape_cast %get3A_254 : vector<1x16xf32> to vector<16xf32>
        %add3A_256 = arith.addf %get3A_255, %get3A_106 : vector<16xf32>
        %swap3A_257 = arith.index_cast %add3A_241 : i32 to index
        %swap3A_258 = arith.constant 16 : index
        %swap3A_259 = tpu.vector_load %arg9[%swap3A_257, %swap3A_258] {strides = array<i32>} : memref<800x64xf32, #tpu.memory_space<vmem>>, vector<1x16xf32>,
        %swap3A_260 = vector.shape_cast %swap3A_259 : vector<1x16xf32> to vector<16xf32>
        %swap3A_261 = vector.shape_cast %add3A_256 : vector<16xf32> to vector<1x16xf32>
        tpu.vector_store %arg9[%swap3A_257, %swap3A_258], %swap3A_261 {strides = array<i32>} : memref<800x64xf32, #tpu.memory_space<vmem>>, vector<1x16xf32>,
        %get3A_262 = arith.index_cast %add3A_241 : i32 to index
        %get3A_263 = arith.constant 32 : index
        %get3A_264 = tpu.vector_load %arg9[%get3A_262, %get3A_263] {strides = array<i32>} : memref<800x64xf32, #tpu.memory_space<vmem>>, vector<1x16xf32>,
        %get3A_265 = vector.shape_cast %get3A_264 : vector<1x16xf32> to vector<16xf32>
        %add3A_266 = arith.addf %get3A_265, %get3A_110 : vector<16xf32>
        %swap3A_267 = arith.index_cast %add3A_241 : i32 to index
        %swap3A_268 = arith.constant 32 : index
        %swap3A_269 = tpu.vector_load %arg9[%swap3A_267, %swap3A_268] {strides = array<i32>} : memref<800x64xf32, #tpu.memory_space<vmem>>, vector<1x16xf32>,
        %swap3A_270 = vector.shape_cast %swap3A_269 : vector<1x16xf32> to vector<16xf32>
        %swap3A_271 = vector.shape_cast %add3A_266 : vector<16xf32> to vector<1x16xf32>
        tpu.vector_store %arg9[%swap3A_267, %swap3A_268], %swap3A_271 {strides = array<i32>} : memref<800x64xf32, #tpu.memory_space<vmem>>, vector<1x16xf32>,
        %get3A_272 = arith.index_cast %add3A_241 : i32 to index
        %get3A_273 = arith.constant 48 : index
        %get3A_274 = tpu.vector_load %arg9[%get3A_272, %get3A_273] {strides = array<i32>} : memref<800x64xf32, #tpu.memory_space<vmem>>, vector<1x16xf32>,
        %get3A_275 = vector.shape_cast %get3A_274 : vector<1x16xf32> to vector<16xf32>
        %add3A_276 = arith.addf %get3A_275, %get3A_114 : vector<16xf32>
        %swap3A_277 = arith.index_cast %add3A_241 : i32 to index
        %swap3A_278 = arith.constant 48 : index
        %swap3A_279 = tpu.vector_load %arg9[%swap3A_277, %swap3A_278] {strides = array<i32>} : memref<800x64xf32, #tpu.memory_space<vmem>>, vector<1x16xf32>,
        %swap3A_280 = vector.shape_cast %swap3A_279 : vector<1x16xf32> to vector<16xf32>
        %swap3A_281 = vector.shape_cast %add3A_276 : vector<16xf32> to vector<1x16xf32>
        tpu.vector_store %arg9[%swap3A_277, %swap3A_278], %swap3A_281 {strides = array<i32>} : memref<800x64xf32, #tpu.memory_space<vmem>>, vector<1x16xf32>,
        %scan3A_282 = arith.constant 1 : i32
        %scan3A_283 = arith.addi %scan3A_99, %scan3A_282 : i32
        %get3A_284 = arith.index_cast %scan3A_283 : i32 to index
        %get3A_285 = arith.constant 0 : index
        %get3A_286 = tpu.vector_load %arg6[%get3A_284, %get3A_285] {strides = array<i32>} : memref<200x64xf32, #tpu.memory_space<vmem>>, vector<1x16xf32>,
        %get3A_287 = vector.shape_cast %get3A_286 : vector<1x16xf32> to vector<16xf32>
        %get3A_288 = arith.index_cast %scan3A_283 : i32 to index
        %get3A_289 = arith.constant 16 : index
        %get3A_290 = tpu.vector_load %arg6[%get3A_288, %get3A_289] {strides = array<i32>} : memref<200x64xf32, #tpu.memory_space<vmem>>, vector<1x16xf32>,
        %get3A_291 = vector.shape_cast %get3A_290 : vector<1x16xf32> to vector<16xf32>
        %get3A_292 = arith.index_cast %scan3A_283 : i32 to index
        %get3A_293 = arith.constant 32 : index
        %get3A_294 = tpu.vector_load %arg6[%get3A_292, %get3A_293] {strides = array<i32>} : memref<200x64xf32, #tpu.memory_space<vmem>>, vector<1x16xf32>,
        %get3A_295 = vector.shape_cast %get3A_294 : vector<1x16xf32> to vector<16xf32>
        %get3A_296 = arith.index_cast %scan3A_283 : i32 to index
        %get3A_297 = arith.constant 48 : index
        %get3A_298 = tpu.vector_load %arg6[%get3A_296, %get3A_297] {strides = array<i32>} : memref<200x64xf32, #tpu.memory_space<vmem>>, vector<1x16xf32>,
        %get3A_299 = vector.shape_cast %get3A_298 : vector<1x16xf32> to vector<16xf32>
        %add3A_300 = arith.constant 0 : i32
        %add3A_301 = arith.addi %add3A_300, %scan3A_283 : i32
        %get3A_302 = arith.index_cast %add3A_301 : i32 to index
        %get3A_303 = arith.constant 0 : index
        %get3A_304 = tpu.vector_load %arg9[%get3A_302, %get3A_303] {strides = array<i32>} : memref<800x64xf32, #tpu.memory_space<vmem>>, vector<1x16xf32>,
        %get3A_305 = vector.shape_cast %get3A_304 : vector<1x16xf32> to vector<16xf32>
        %add3A_306 = arith.addf %get3A_305, %get3A_287 : vector<16xf32>
        %swap3A_307 = arith.index_cast %add3A_301 : i32 to index
        %swap3A_308 = arith.constant 0 : index
        %swap3A_309 = tpu.vector_load %arg9[%swap3A_307, %swap3A_308] {strides = array<i32>} : memref<800x64xf32, #tpu.memory_space<vmem>>, vector<1x16xf32>,
        %swap3A_310 = vector.shape_cast %swap3A_309 : vector<1x16xf32> to vector<16xf32>
        %swap3A_311 = vector.shape_cast %add3A_306 : vector<16xf32> to vector<1x16xf32>
        tpu.vector_store %arg9[%swap3A_307, %swap3A_308], %swap3A_311 {strides = array<i32>} : memref<800x64xf32, #tpu.memory_space<vmem>>, vector<1x16xf32>,
        %get3A_312 = arith.index_cast %add3A_301 : i32 to index
        %get3A_313 = arith.constant 16 : index
        %get3A_314 = tpu.vector_load %arg9[%get3A_312, %get3A_313] {strides = array<i32>} : memref<800x64xf32, #tpu.memory_space<vmem>>, vector<1x16xf32>,
        %get3A_315 = vector.shape_cast %get3A_314 : vector<1x16xf32> to vector<16xf32>
        %add3A_316 = arith.addf %get3A_315, %get3A_291 : vector<16xf32>
        %swap3A_317 = arith.index_cast %add3A_301 : i32 to index
        %swap3A_318 = arith.constant 16 : index
        %swap3A_319 = tpu.vector_load %arg9[%swap3A_317, %swap3A_318] {strides = array<i32>} : memref<800x64xf32, #tpu.memory_space<vmem>>, vector<1x16xf32>,
        %swap3A_320 = vector.shape_cast %swap3A_319 : vector<1x16xf32> to vector<16xf32>
        %swap3A_321 = vector.shape_cast %add3A_316 : vector<16xf32> to vector<1x16xf32>
        tpu.vector_store %arg9[%swap3A_317, %swap3A_318], %swap3A_321 {strides = array<i32>} : memref<800x64xf32, #tpu.memory_space<vmem>>, vector<1x16xf32>,
        %get3A_322 = arith.index_cast %add3A_301 : i32 to index
        %get3A_323 = arith.constant 32 : index
        %get3A_324 = tpu.vector_load %arg9[%get3A_322, %get3A_323] {strides = array<i32>} : memref<800x64xf32, #tpu.memory_space<vmem>>, vector<1x16xf32>,
        %get3A_325 = vector.shape_cast %get3A_324 : vector<1x16xf32> to vector<16xf32>
        %add3A_326 = arith.addf %get3A_325, %get3A_295 : vector<16xf32>
        %swap3A_327 = arith.index_cast %add3A_301 : i32 to index
        %swap3A_328 = arith.constant 32 : index
        %swap3A_329 = tpu.vector_load %arg9[%swap3A_327, %swap3A_328] {strides = array<i32>} : memref<800x64xf32, #tpu.memory_space<vmem>>, vector<1x16xf32>,
        %swap3A_330 = vector.shape_cast %swap3A_329 : vector<1x16xf32> to vector<16xf32>
        %swap3A_331 = vector.shape_cast %add3A_326 : vector<16xf32> to vector<1x16xf32>
        tpu.vector_store %arg9[%swap3A_327, %swap3A_328], %swap3A_331 {strides = array<i32>} : memref<800x64xf32, #tpu.memory_space<vmem>>, vector<1x16xf32>,
        %get3A_332 = arith.index_cast %add3A_301 : i32 to index
        %get3A_333 = arith.constant 48 : index
        %get3A_334 = tpu.vector_load %arg9[%get3A_332, %get3A_333] {strides = array<i32>} : memref<800x64xf32, #tpu.memory_space<vmem>>, vector<1x16xf32>,
        %get3A_335 = vector.shape_cast %get3A_334 : vector<1x16xf32> to vector<16xf32>
        %add3A_336 = arith.addf %get3A_335, %get3A_299 : vector<16xf32>
        %swap3A_337 = arith.index_cast %add3A_301 : i32 to index
        %swap3A_338 = arith.constant 48 : index
        %swap3A_339 = tpu.vector_load %arg9[%swap3A_337, %swap3A_338] {strides = array<i32>} : memref<800x64xf32, #tpu.memory_space<vmem>>, vector<1x16xf32>,
        %swap3A_340 = vector.shape_cast %swap3A_339 : vector<1x16xf32> to vector<16xf32>
        %swap3A_341 = vector.shape_cast %add3A_336 : vector<16xf32> to vector<1x16xf32>
        tpu.vector_store %arg9[%swap3A_337, %swap3A_338], %swap3A_341 {strides = array<i32>} : memref<800x64xf32, #tpu.memory_space<vmem>>, vector<1x16xf32>,
        %add3A_342 = arith.constant 200 : i32
        %add3A_343 = arith.addi %add3A_342, %scan3A_283 : i32
        %get3A_344 = arith.index_cast %add3A_343 : i32 to index
        %get3A_345 = arith.constant 0 : index
        %get3A_346 = tpu.vector_load %arg9[%get3A_344, %get3A_345] {strides = array<i32>} : memref<800x64xf32, #tpu.memory_space<vmem>>, vector<1x16xf32>,
        %get3A_347 = vector.shape_cast %get3A_346 : vector<1x16xf32> to vector<16xf32>
        %add3A_348 = arith.addf %get3A_347, %get3A_287 : vector<16xf32>
        %swap3A_349 = arith.index_cast %add3A_343 : i32 to index
        %swap3A_350 = arith.constant 0 : index
        %swap3A_351 = tpu.vector_load %arg9[%swap3A_349, %swap3A_350] {strides = array<i32>} : memref<800x64xf32, #tpu.memory_space<vmem>>, vector<1x16xf32>,
        %swap3A_352 = vector.shape_cast %swap3A_351 : vector<1x16xf32> to vector<16xf32>
        %swap3A_353 = vector.shape_cast %add3A_348 : vector<16xf32> to vector<1x16xf32>
        tpu.vector_store %arg9[%swap3A_349, %swap3A_350], %swap3A_353 {strides = array<i32>} : memref<800x64xf32, #tpu.memory_space<vmem>>, vector<1x16xf32>,
        %get3A_354 = arith.index_cast %add3A_343 : i32 to index
        %get3A_355 = arith.constant 16 : index
        %get3A_356 = tpu.vector_load %arg9[%get3A_354, %get3A_355] {strides = array<i32>} : memref<800x64xf32, #tpu.memory_space<vmem>>, vector<1x16xf32>,
        %get3A_357 = vector.shape_cast %get3A_356 : vector<1x16xf32> to vector<16xf32>
        %add3A_358 = arith.addf %get3A_357, %get3A_291 : vector<16xf32>
        %swap3A_359 = arith.index_cast %add3A_343 : i32 to index
        %swap3A_360 = arith.constant 16 : index
        %swap3A_361 = tpu.vector_load %arg9[%swap3A_359, %swap3A_360] {strides = array<i32>} : memref<800x64xf32, #tpu.memory_space<vmem>>, vector<1x16xf32>,
        %swap3A_362 = vector.shape_cast %swap3A_361 : vector<1x16xf32> to vector<16xf32>
        %swap3A_363 = vector.shape_cast %add3A_358 : vector<16xf32> to vector<1x16xf32>
        tpu.vector_store %arg9[%swap3A_359, %swap3A_360], %swap3A_363 {strides = array<i32>} : memref<800x64xf32, #tpu.memory_space<vmem>>, vector<1x16xf32>,
        %get3A_364 = arith.index_cast %add3A_343 : i32 to index
        %get3A_365 = arith.constant 32 : index
        %get3A_366 = tpu.vector_load %arg9[%get3A_364, %get3A_365] {strides = array<i32>} : memref<800x64xf32, #tpu.memory_space<vmem>>, vector<1x16xf32>,
        %get3A_367 = vector.shape_cast %get3A_366 : vector<1x16xf32> to vector<16xf32>
        %add3A_368 = arith.addf %get3A_367, %get3A_295 : vector<16xf32>
        %swap3A_369 = arith.index_cast %add3A_343 : i32 to index
        %swap3A_370 = arith.constant 32 : index
        %swap3A_371 = tpu.vector_load %arg9[%swap3A_369, %swap3A_370] {strides = array<i32>} : memref<800x64xf32, #tpu.memory_space<vmem>>, vector<1x16xf32>,
        %swap3A_372 = vector.shape_cast %swap3A_371 : vector<1x16xf32> to vector<16xf32>
        %swap3A_373 = vector.shape_cast %add3A_368 : vector<16xf32> to vector<1x16xf32>
        tpu.vector_store %arg9[%swap3A_369, %swap3A_370], %swap3A_373 {strides = array<i32>} : memref<800x64xf32, #tpu.memory_space<vmem>>, vector<1x16xf32>,
        %get3A_374 = arith.index_cast %add3A_343 : i32 to index
        %get3A_375 = arith.constant 48 : index
        %get3A_376 = tpu.vector_load %arg9[%get3A_374, %get3A_375] {strides = array<i32>} : memref<800x64xf32, #tpu.memory_space<vmem>>, vector<1x16xf32>,
        %get3A_377 = vector.shape_cast %get3A_376 : vector<1x16xf32> to vector<16xf32>
        %add3A_378 = arith.addf %get3A_377, %get3A_299 : vector<16xf32>
        %swap3A_379 = arith.index_cast %add3A_343 : i32 to index
        %swap3A_380 = arith.constant 48 : index
        %swap3A_381 = tpu.vector_load %arg9[%swap3A_379, %swap3A_380] {strides = array<i32>} : memref<800x64xf32, #tpu.memory_space<vmem>>, vector<1x16xf32>,
        %swap3A_382 = vector.shape_cast %swap3A_381 : vector<1x16xf32> to vector<16xf32>
        %swap3A_383 = vector.shape_cast %add3A_378 : vector<16xf32> to vector<1x16xf32>
        tpu.vector_store %arg9[%swap3A_379, %swap3A_380], %swap3A_383 {strides = array<i32>} : memref<800x64xf32, #tpu.memory_space<vmem>>, vector<1x16xf32>,
        %add3A_384 = arith.constant 400 : i32
        %add3A_385 = arith.addi %add3A_384, %scan3A_283 : i32
        %get3A_386 = arith.index_cast %add3A_385 : i32 to index
        %get3A_387 = arith.constant 0 : index
        %get3A_388 = tpu.vector_load %arg9[%get3A_386, %get3A_387] {strides = array<i32>} : memref<800x64xf32, #tpu.memory_space<vmem>>, vector<1x16xf32>,
        %get3A_389 = vector.shape_cast %get3A_388 : vector<1x16xf32> to vector<16xf32>
        %add3A_390 = arith.addf %get3A_389, %get3A_287 : vector<16xf32>
        %swap3A_391 = arith.index_cast %add3A_385 : i32 to index
        %swap3A_392 = arith.constant 0 : index
        %swap3A_393 = tpu.vector_load %arg9[%swap3A_391, %swap3A_392] {strides = array<i32>} : memref<800x64xf32, #tpu.memory_space<vmem>>, vector<1x16xf32>,
        %swap3A_394 = vector.shape_cast %swap3A_393 : vector<1x16xf32> to vector<16xf32>
        %swap3A_395 = vector.shape_cast %add3A_390 : vector<16xf32> to vector<1x16xf32>
        tpu.vector_store %arg9[%swap3A_391, %swap3A_392], %swap3A_395 {strides = array<i32>} : memref<800x64xf32, #tpu.memory_space<vmem>>, vector<1x16xf32>,
        %get3A_396 = arith.index_cast %add3A_385 : i32 to index
        %get3A_397 = arith.constant 16 : index
        %get3A_398 = tpu.vector_load %arg9[%get3A_396, %get3A_397] {strides = array<i32>} : memref<800x64xf32, #tpu.memory_space<vmem>>, vector<1x16xf32>,
        %get3A_399 = vector.shape_cast %get3A_398 : vector<1x16xf32> to vector<16xf32>
        %add3A_400 = arith.addf %get3A_399, %get3A_291 : vector<16xf32>
        %swap3A_401 = arith.index_cast %add3A_385 : i32 to index
        %swap3A_402 = arith.constant 16 : index
        %swap3A_403 = tpu.vector_load %arg9[%swap3A_401, %swap3A_402] {strides = array<i32>} : memref<800x64xf32, #tpu.memory_space<vmem>>, vector<1x16xf32>,
        %swap3A_404 = vector.shape_cast %swap3A_403 : vector<1x16xf32> to vector<16xf32>
        %swap3A_405 = vector.shape_cast %add3A_400 : vector<16xf32> to vector<1x16xf32>
        tpu.vector_store %arg9[%swap3A_401, %swap3A_402], %swap3A_405 {strides = array<i32>} : memref<800x64xf32, #tpu.memory_space<vmem>>, vector<1x16xf32>,
        %get3A_406 = arith.index_cast %add3A_385 : i32 to index
        %get3A_407 = arith.constant 32 : index
        %get3A_408 = tpu.vector_load %arg9[%get3A_406, %get3A_407] {strides = array<i32>} : memref<800x64xf32, #tpu.memory_space<vmem>>, vector<1x16xf32>,
        %get3A_409 = vector.shape_cast %get3A_408 : vector<1x16xf32> to vector<16xf32>
        %add3A_410 = arith.addf %get3A_409, %get3A_295 : vector<16xf32>
        %swap3A_411 = arith.index_cast %add3A_385 : i32 to index
        %swap3A_412 = arith.constant 32 : index
        %swap3A_413 = tpu.vector_load %arg9[%swap3A_411, %swap3A_412] {strides = array<i32>} : memref<800x64xf32, #tpu.memory_space<vmem>>, vector<1x16xf32>,
        %swap3A_414 = vector.shape_cast %swap3A_413 : vector<1x16xf32> to vector<16xf32>
        %swap3A_415 = vector.shape_cast %add3A_410 : vector<16xf32> to vector<1x16xf32>
        tpu.vector_store %arg9[%swap3A_411, %swap3A_412], %swap3A_415 {strides = array<i32>} : memref<800x64xf32, #tpu.memory_space<vmem>>, vector<1x16xf32>,
        %get3A_416 = arith.index_cast %add3A_385 : i32 to index
        %get3A_417 = arith.constant 48 : index
        %get3A_418 = tpu.vector_load %arg9[%get3A_416, %get3A_417] {strides = array<i32>} : memref<800x64xf32, #tpu.memory_space<vmem>>, vector<1x16xf32>,
        %get3A_419 = vector.shape_cast %get3A_418 : vector<1x16xf32> to vector<16xf32>
        %add3A_420 = arith.addf %get3A_419, %get3A_299 : vector<16xf32>
        %swap3A_421 = arith.index_cast %add3A_385 : i32 to index
        %swap3A_422 = arith.constant 48 : index
        %swap3A_423 = tpu.vector_load %arg9[%swap3A_421, %swap3A_422] {strides = array<i32>} : memref<800x64xf32, #tpu.memory_space<vmem>>, vector<1x16xf32>,
        %swap3A_424 = vector.shape_cast %swap3A_423 : vector<1x16xf32> to vector<16xf32>
        %swap3A_425 = vector.shape_cast %add3A_420 : vector<16xf32> to vector<1x16xf32>
        tpu.vector_store %arg9[%swap3A_421, %swap3A_422], %swap3A_425 {strides = array<i32>} : memref<800x64xf32, #tpu.memory_space<vmem>>, vector<1x16xf32>,
        %add3A_426 = arith.constant 600 : i32
        %add3A_427 = arith.addi %add3A_426, %scan3A_283 : i32
        %get3A_428 = arith.index_cast %add3A_427 : i32 to index
        %get3A_429 = arith.constant 0 : index
        %get3A_430 = tpu.vector_load %arg9[%get3A_428, %get3A_429] {strides = array<i32>} : memref<800x64xf32, #tpu.memory_space<vmem>>, vector<1x16xf32>,
        %get3A_431 = vector.shape_cast %get3A_430 : vector<1x16xf32> to vector<16xf32>
        %add3A_432 = arith.addf %get3A_431, %get3A_287 : vector<16xf32>
        %swap3A_433 = arith.index_cast %add3A_427 : i32 to index
        %swap3A_434 = arith.constant 0 : index
        %swap3A_435 = tpu.vector_load %arg9[%swap3A_433, %swap3A_434] {strides = array<i32>} : memref<800x64xf32, #tpu.memory_space<vmem>>, vector<1x16xf32>,
        %swap3A_436 = vector.shape_cast %swap3A_435 : vector<1x16xf32> to vector<16xf32>
        %swap3A_437 = vector.shape_cast %add3A_432 : vector<16xf32> to vector<1x16xf32>
        tpu.vector_store %arg9[%swap3A_433, %swap3A_434], %swap3A_437 {strides = array<i32>} : memref<800x64xf32, #tpu.memory_space<vmem>>, vector<1x16xf32>,
        %get3A_438 = arith.index_cast %add3A_427 : i32 to index
        %get3A_439 = arith.constant 16 : index
        %get3A_440 = tpu.vector_load %arg9[%get3A_438, %get3A_439] {strides = array<i32>} : memref<800x64xf32, #tpu.memory_space<vmem>>, vector<1x16xf32>,
        %get3A_441 = vector.shape_cast %get3A_440 : vector<1x16xf32> to vector<16xf32>
        %add3A_442 = arith.addf %get3A_441, %get3A_291 : vector<16xf32>
        %swap3A_443 = arith.index_cast %add3A_427 : i32 to index
        %swap3A_444 = arith.constant 16 : index
        %swap3A_445 = tpu.vector_load %arg9[%swap3A_443, %swap3A_444] {strides = array<i32>} : memref<800x64xf32, #tpu.memory_space<vmem>>, vector<1x16xf32>,
        %swap3A_446 = vector.shape_cast %swap3A_445 : vector<1x16xf32> to vector<16xf32>
        %swap3A_447 = vector.shape_cast %add3A_442 : vector<16xf32> to vector<1x16xf32>
        tpu.vector_store %arg9[%swap3A_443, %swap3A_444], %swap3A_447 {strides = array<i32>} : memref<800x64xf32, #tpu.memory_space<vmem>>, vector<1x16xf32>,
        %get3A_448 = arith.index_cast %add3A_427 : i32 to index
        %get3A_449 = arith.constant 32 : index
        %get3A_450 = tpu.vector_load %arg9[%get3A_448, %get3A_449] {strides = array<i32>} : memref<800x64xf32, #tpu.memory_space<vmem>>, vector<1x16xf32>,
        %get3A_451 = vector.shape_cast %get3A_450 : vector<1x16xf32> to vector<16xf32>
        %add3A_452 = arith.addf %get3A_451, %get3A_295 : vector<16xf32>
        %swap3A_453 = arith.index_cast %add3A_427 : i32 to index
        %swap3A_454 = arith.constant 32 : index
        %swap3A_455 = tpu.vector_load %arg9[%swap3A_453, %swap3A_454] {strides = array<i32>} : memref<800x64xf32, #tpu.memory_space<vmem>>, vector<1x16xf32>,
        %swap3A_456 = vector.shape_cast %swap3A_455 : vector<1x16xf32> to vector<16xf32>
        %swap3A_457 = vector.shape_cast %add3A_452 : vector<16xf32> to vector<1x16xf32>
        tpu.vector_store %arg9[%swap3A_453, %swap3A_454], %swap3A_457 {strides = array<i32>} : memref<800x64xf32, #tpu.memory_space<vmem>>, vector<1x16xf32>,
        %get3A_458 = arith.index_cast %add3A_427 : i32 to index
        %get3A_459 = arith.constant 48 : index
        %get3A_460 = tpu.vector_load %arg9[%get3A_458, %get3A_459] {strides = array<i32>} : memref<800x64xf32, #tpu.memory_space<vmem>>, vector<1x16xf32>,
        %get3A_461 = vector.shape_cast %get3A_460 : vector<1x16xf32> to vector<16xf32>
        %add3A_462 = arith.addf %get3A_461, %get3A_299 : vector<16xf32>
        %swap3A_463 = arith.index_cast %add3A_427 : i32 to index
        %swap3A_464 = arith.constant 48 : index
        %swap3A_465 = tpu.vector_load %arg9[%swap3A_463, %swap3A_464] {strides = array<i32>} : memref<800x64xf32, #tpu.memory_space<vmem>>, vector<1x16xf32>,
        %swap3A_466 = vector.shape_cast %swap3A_465 : vector<1x16xf32> to vector<16xf32>
        %swap3A_467 = vector.shape_cast %add3A_462 : vector<16xf32> to vector<1x16xf32>
        tpu.vector_store %arg9[%swap3A_463, %swap3A_464], %swap3A_467 {strides = array<i32>} : memref<800x64xf32, #tpu.memory_space<vmem>>, vector<1x16xf32>,
      }
      %scan3A_57 = arith.constant 200 : i32
      %mul3A_58 = arith.constant 800 : i32
      %mul3A_59 = arith.muli %add3A_37, %mul3A_58 : i32
      %add3A_60 = arith.addi %mul3A_2, %mul3A_59 : i32
      %dma_start3A_61 = arith.constant 0 : i32
      %dma_start3A_62 = tpu.memref_slice %arg5[%add3A_60, %dma_start3A_61] : memref<819200x128xf32, #tpu.memory_space<hbm>> -> memref<800x64xf32, #tpu.memory_space<hbm>>
      %dma_start3A_63 = arith.constant 0 : i32
      %dma_start3A_64 = tpu.memref_slice %arg5[%add3A_60, %dma_start3A_63] : memref<819200x128xf32, #tpu.memory_space<hbm>> -> memref<800x64xf32, #tpu.memory_space<hbm>>
      tpu.enqueue_dma source(%arg9 : memref<800x64xf32, #tpu.memory_space<vmem>>) target(%dma_start3A_64 : memref<800x64xf32, #tpu.memory_space<hbm>>) target_semaphore(%arg15 : memref<!tpu.dma_semaphore, #tpu.memory_space<semaphore_mem>>)
      %mul3A_65 = arith.constant 2 : i32
      %mul3A_66 = arith.muli %scan3A_33, %mul3A_65 : i32
      %add3A_67 = arith.constant 1 : i32
      %add3A_68 = arith.addi %mul3A_66, %add3A_67 : i32
      %add3A_69 = arith.constant 1 : i32
      %add3A_70 = arith.addi %add3A_68, %add3A_69 : i32
      %lt3A_71 = arith.constant 32 : i32
      %lt3A_72 = arith.cmpi slt, %add3A_70, %lt3A_71 : i32
      %convert_element_type3A_73 = arith.extui %lt3A_72 : i1 to i32
      %cond3A_74 = arith.constant 0 : i32
      %cond3A_75 = arith.cmpi ne, %convert_element_type3A_73, %cond3A_74 : i32
      scf.if %cond3A_75 {
        %ge3A = arith.constant 1 : i32
        %ge3A_99 = arith.cmpi sge, %add3A_68, %ge3A : i32
        %convert_element_type3A_100 = arith.extui %ge3A_99 : i1 to i32
        %cond3A_101 = arith.constant 0 : i32
        %cond3A_102 = arith.cmpi ne, %convert_element_type3A_100, %cond3A_101 : i32
        scf.if %cond3A_102 {
          %sub3A = arith.constant 1 : i32
          %sub3A_113 = arith.subi %add3A_68, %sub3A : i32
          %mul3A_114 = arith.constant 800 : i32
          %mul3A_115 = arith.muli %sub3A_113, %mul3A_114 : i32
          %add3A_116 = arith.addi %mul3A_2, %mul3A_115 : i32
          %dma_wait3A_117 = arith.constant 0 : i32
          %dma_wait3A_118 = tpu.memref_slice %arg5[%add3A_116, %dma_wait3A_117] : memref<819200x128xf32, #tpu.memory_space<hbm>> -> memref<800x64xf32, #tpu.memory_space<hbm>>
          %dma_wait3A_119 = arith.constant 0 : i32
          %dma_wait3A_120 = tpu.memref_slice %arg5[%add3A_116, %dma_wait3A_119] : memref<819200x128xf32, #tpu.memory_space<hbm>> -> memref<800x64xf32, #tpu.memory_space<hbm>>
          tpu.wait_dma2 semaphore(%arg15 : memref<!tpu.dma_semaphore, #tpu.memory_space<semaphore_mem>>) src(%arg9 : memref<800x64xf32, #tpu.memory_space<vmem>>) dst(%dma_wait3A_120 : memref<800x64xf32, #tpu.memory_space<hbm>>)
        } else {
        }
        %add3A_103 = arith.constant 1 : i32
        %add3A_104 = arith.addi %add3A_68, %add3A_103 : i32
        %mul3A_105 = arith.constant 800 : i32
        %mul3A_106 = arith.muli %add3A_104, %mul3A_105 : i32
        %add3A_107 = arith.addi %mul3A_2, %mul3A_106 : i32
        %dma_wait3A_108 = tpu.memref_slice %arg2[%add3A_107] : memref<819200xi32, #tpu.memory_space<hbm>> -> memref<800xi32, #tpu.memory_space<hbm>>
        %dma_wait3A_109 = tpu.memref_slice %arg2[%add3A_107] : memref<819200xi32, #tpu.memory_space<hbm>> -> memref<800xi32, #tpu.memory_space<hbm>>
        tpu.wait_dma2 semaphore(%arg11 : memref<!tpu.dma_semaphore, #tpu.memory_space<semaphore_mem>>) src(%dma_wait3A_109 : memref<800xi32, #tpu.memory_space<hbm>>) dst(%arg7 : memref<800xi32, #tpu.memory_space<vmem>>)
        %dma_start3A_110 = arith.constant 0 : i32
        %dma_start3A_111 = arith.constant 0 : i32
        %dma_start3A_112 = tpu.memref_slice %arg3[%dma_start3A_110, %dma_start3A_111] : memref<1000000x64xf32, #tpu.memory_space<hbm>> -> memref<1000000x64xf32, #tpu.memory_space<hbm>>
        tpu.enqueue_indirect_dma source(%dma_start3A_112 : memref<1000000x64xf32, #tpu.memory_space<hbm>>) target(%arg9 : memref<800x64xf32, #tpu.memory_space<vmem>>) offsets(%arg7 : memref<800xi32, #tpu.memory_space<vmem>>) semaphore(%arg13 : memref<!tpu.dma_semaphore, #tpu.memory_space<semaphore_mem>>)
      } else {
      }
      %dma_wait3A_76 = arith.constant 0 : i32
      %dma_wait3A_77 = arith.constant 0 : i32
      %dma_wait3A_78 = tpu.memref_slice %arg3[%dma_wait3A_76, %dma_wait3A_77] : memref<1000000x64xf32, #tpu.memory_space<hbm>> -> memref<1000000x64xf32, #tpu.memory_space<hbm>>
      tpu.wait_indirect_dma semaphore(%arg14 : memref<!tpu.dma_semaphore, #tpu.memory_space<semaphore_mem>>) src(%dma_wait3A_78 : memref<1000000x64xf32, #tpu.memory_space<hbm>>) dst(%arg10 : memref<800x64xf32, #tpu.memory_space<vmem>>)
      %add3A_79 = arith.constant 2 : i32
      %add3A_80 = arith.addi %add3A_68, %add3A_79 : i32
      %lt3A_81 = arith.constant 32 : i32
      %lt3A_82 = arith.cmpi slt, %add3A_80, %lt3A_81 : i32
      %convert_element_type3A_83 = arith.extui %lt3A_82 : i1 to i32
      %cond3A_84 = arith.constant 0 : i32
      %cond3A_85 = arith.cmpi ne, %convert_element_type3A_83, %cond3A_84 : i32
      scf.if %cond3A_85 {
        %add3A_99 = arith.constant 2 : i32
        %add3A_100 = arith.addi %add3A_68, %add3A_99 : i32
        %mul3A_101 = arith.constant 800 : i32
        %mul3A_102 = arith.muli %add3A_100, %mul3A_101 : i32
        %add3A_103 = arith.addi %mul3A_2, %mul3A_102 : i32
        %dma_start3A_104 = tpu.memref_slice %arg2[%add3A_103] : memref<819200xi32, #tpu.memory_space<hbm>> -> memref<800xi32, #tpu.memory_space<hbm>>
        %dma_start3A_105 = tpu.memref_slice %arg2[%add3A_103] : memref<819200xi32, #tpu.memory_space<hbm>> -> memref<800xi32, #tpu.memory_space<hbm>>
        tpu.enqueue_dma source(%dma_start3A_105 : memref<800xi32, #tpu.memory_space<hbm>>) target(%arg8 : memref<800xi32, #tpu.memory_space<vmem>>) target_semaphore(%arg12 : memref<!tpu.dma_semaphore, #tpu.memory_space<semaphore_mem>>)
      } else {
      }
      %scan3A_86 = arith.constant 0 : i32
      %scan3A_87 = arith.constant 0 : i32
      %scan3A_88 = arith.constant 200 : i32
      %scan3A_89 = arith.addi %scan3A_87, %scan3A_88 : i32
      %scan3A_90 = arith.constant 2 : i32
      scf.for %scan3A_99 = %scan3A_87 to %scan3A_89 step %scan3A_90  : i32 {
        %get3A = arith.index_cast %scan3A_99 : i32 to index
        %get3A_100 = arith.constant 0 : index
        %get3A_101 = tpu.vector_load %arg6[%get3A, %get3A_100] {strides = array<i32>} : memref<200x64xf32, #tpu.memory_space<vmem>>, vector<1x16xf32>,
        %get3A_102 = vector.shape_cast %get3A_101 : vector<1x16xf32> to vector<16xf32>
        %get3A_103 = arith.index_cast %scan3A_99 : i32 to index
        %get3A_104 = arith.constant 16 : index
        %get3A_105 = tpu.vector_load %arg6[%get3A_103, %get3A_104] {strides = array<i32>} : memref<200x64xf32, #tpu.memory_space<vmem>>, vector<1x16xf32>,
        %get3A_106 = vector.shape_cast %get3A_105 : vector<1x16xf32> to vector<16xf32>
        %get3A_107 = arith.index_cast %scan3A_99 : i32 to index
        %get3A_108 = arith.constant 32 : index
        %get3A_109 = tpu.vector_load %arg6[%get3A_107, %get3A_108] {strides = array<i32>} : memref<200x64xf32, #tpu.memory_space<vmem>>, vector<1x16xf32>,
        %get3A_110 = vector.shape_cast %get3A_109 : vector<1x16xf32> to vector<16xf32>
        %get3A_111 = arith.index_cast %scan3A_99 : i32 to index
        %get3A_112 = arith.constant 48 : index
        %get3A_113 = tpu.vector_load %arg6[%get3A_111, %get3A_112] {strides = array<i32>} : memref<200x64xf32, #tpu.memory_space<vmem>>, vector<1x16xf32>,
        %get3A_114 = vector.shape_cast %get3A_113 : vector<1x16xf32> to vector<16xf32>
        %add3A_115 = arith.constant 0 : i32
        %add3A_116 = arith.addi %add3A_115, %scan3A_99 : i32
        %get3A_117 = arith.index_cast %add3A_116 : i32 to index
        %get3A_118 = arith.constant 0 : index
        %get3A_119 = tpu.vector_load %arg10[%get3A_117, %get3A_118] {strides = array<i32>} : memref<800x64xf32, #tpu.memory_space<vmem>>, vector<1x16xf32>,
        %get3A_120 = vector.shape_cast %get3A_119 : vector<1x16xf32> to vector<16xf32>
        %add3A_121 = arith.addf %get3A_120, %get3A_102 : vector<16xf32>
        %swap3A = arith.index_cast %add3A_116 : i32 to index
        %swap3A_122 = arith.constant 0 : index
        %swap3A_123 = tpu.vector_load %arg10[%swap3A, %swap3A_122] {strides = array<i32>} : memref<800x64xf32, #tpu.memory_space<vmem>>, vector<1x16xf32>,
        %swap3A_124 = vector.shape_cast %swap3A_123 : vector<1x16xf32> to vector<16xf32>
        %swap3A_125 = vector.shape_cast %add3A_121 : vector<16xf32> to vector<1x16xf32>
        tpu.vector_store %arg10[%swap3A, %swap3A_122], %swap3A_125 {strides = array<i32>} : memref<800x64xf32, #tpu.memory_space<vmem>>, vector<1x16xf32>,
        %get3A_126 = arith.index_cast %add3A_116 : i32 to index
        %get3A_127 = arith.constant 16 : index
        %get3A_128 = tpu.vector_load %arg10[%get3A_126, %get3A_127] {strides = array<i32>} : memref<800x64xf32, #tpu.memory_space<vmem>>, vector<1x16xf32>,
        %get3A_129 = vector.shape_cast %get3A_128 : vector<1x16xf32> to vector<16xf32>
        %add3A_130 = arith.addf %get3A_129, %get3A_106 : vector<16xf32>
        %swap3A_131 = arith.index_cast %add3A_116 : i32 to index
        %swap3A_132 = arith.constant 16 : index
        %swap3A_133 = tpu.vector_load %arg10[%swap3A_131, %swap3A_132] {strides = array<i32>} : memref<800x64xf32, #tpu.memory_space<vmem>>, vector<1x16xf32>,
        %swap3A_134 = vector.shape_cast %swap3A_133 : vector<1x16xf32> to vector<16xf32>
        %swap3A_135 = vector.shape_cast %add3A_130 : vector<16xf32> to vector<1x16xf32>
        tpu.vector_store %arg10[%swap3A_131, %swap3A_132], %swap3A_135 {strides = array<i32>} : memref<800x64xf32, #tpu.memory_space<vmem>>, vector<1x16xf32>,
        %get3A_136 = arith.index_cast %add3A_116 : i32 to index
        %get3A_137 = arith.constant 32 : index
        %get3A_138 = tpu.vector_load %arg10[%get3A_136, %get3A_137] {strides = array<i32>} : memref<800x64xf32, #tpu.memory_space<vmem>>, vector<1x16xf32>,
        %get3A_139 = vector.shape_cast %get3A_138 : vector<1x16xf32> to vector<16xf32>
        %add3A_140 = arith.addf %get3A_139, %get3A_110 : vector<16xf32>
        %swap3A_141 = arith.index_cast %add3A_116 : i32 to index
        %swap3A_142 = arith.constant 32 : index
        %swap3A_143 = tpu.vector_load %arg10[%swap3A_141, %swap3A_142] {strides = array<i32>} : memref<800x64xf32, #tpu.memory_space<vmem>>, vector<1x16xf32>,
        %swap3A_144 = vector.shape_cast %swap3A_143 : vector<1x16xf32> to vector<16xf32>
        %swap3A_145 = vector.shape_cast %add3A_140 : vector<16xf32> to vector<1x16xf32>
        tpu.vector_store %arg10[%swap3A_141, %swap3A_142], %swap3A_145 {strides = array<i32>} : memref<800x64xf32, #tpu.memory_space<vmem>>, vector<1x16xf32>,
        %get3A_146 = arith.index_cast %add3A_116 : i32 to index
        %get3A_147 = arith.constant 48 : index
        %get3A_148 = tpu.vector_load %arg10[%get3A_146, %get3A_147] {strides = array<i32>} : memref<800x64xf32, #tpu.memory_space<vmem>>, vector<1x16xf32>,
        %get3A_149 = vector.shape_cast %get3A_148 : vector<1x16xf32> to vector<16xf32>
        %add3A_150 = arith.addf %get3A_149, %get3A_114 : vector<16xf32>
        %swap3A_151 = arith.index_cast %add3A_116 : i32 to index
        %swap3A_152 = arith.constant 48 : index
        %swap3A_153 = tpu.vector_load %arg10[%swap3A_151, %swap3A_152] {strides = array<i32>} : memref<800x64xf32, #tpu.memory_space<vmem>>, vector<1x16xf32>,
        %swap3A_154 = vector.shape_cast %swap3A_153 : vector<1x16xf32> to vector<16xf32>
        %swap3A_155 = vector.shape_cast %add3A_150 : vector<16xf32> to vector<1x16xf32>
        tpu.vector_store %arg10[%swap3A_151, %swap3A_152], %swap3A_155 {strides = array<i32>} : memref<800x64xf32, #tpu.memory_space<vmem>>, vector<1x16xf32>,
        %add3A_156 = arith.constant 200 : i32
        %add3A_157 = arith.addi %add3A_156, %scan3A_99 : i32
        %get3A_158 = arith.index_cast %add3A_157 : i32 to index
        %get3A_159 = arith.constant 0 : index
        %get3A_160 = tpu.vector_load %arg10[%get3A_158, %get3A_159] {strides = array<i32>} : memref<800x64xf32, #tpu.memory_space<vmem>>, vector<1x16xf32>,
        %get3A_161 = vector.shape_cast %get3A_160 : vector<1x16xf32> to vector<16xf32>
        %add3A_162 = arith.addf %get3A_161, %get3A_102 : vector<16xf32>
        %swap3A_163 = arith.index_cast %add3A_157 : i32 to index
        %swap3A_164 = arith.constant 0 : index
        %swap3A_165 = tpu.vector_load %arg10[%swap3A_163, %swap3A_164] {strides = array<i32>} : memref<800x64xf32, #tpu.memory_space<vmem>>, vector<1x16xf32>,
        %swap3A_166 = vector.shape_cast %swap3A_165 : vector<1x16xf32> to vector<16xf32>
        %swap3A_167 = vector.shape_cast %add3A_162 : vector<16xf32> to vector<1x16xf32>
        tpu.vector_store %arg10[%swap3A_163, %swap3A_164], %swap3A_167 {strides = array<i32>} : memref<800x64xf32, #tpu.memory_space<vmem>>, vector<1x16xf32>,
        %get3A_168 = arith.index_cast %add3A_157 : i32 to index
        %get3A_169 = arith.constant 16 : index
        %get3A_170 = tpu.vector_load %arg10[%get3A_168, %get3A_169] {strides = array<i32>} : memref<800x64xf32, #tpu.memory_space<vmem>>, vector<1x16xf32>,
        %get3A_171 = vector.shape_cast %get3A_170 : vector<1x16xf32> to vector<16xf32>
        %add3A_172 = arith.addf %get3A_171, %get3A_106 : vector<16xf32>
        %swap3A_173 = arith.index_cast %add3A_157 : i32 to index
        %swap3A_174 = arith.constant 16 : index
        %swap3A_175 = tpu.vector_load %arg10[%swap3A_173, %swap3A_174] {strides = array<i32>} : memref<800x64xf32, #tpu.memory_space<vmem>>, vector<1x16xf32>,
        %swap3A_176 = vector.shape_cast %swap3A_175 : vector<1x16xf32> to vector<16xf32>
        %swap3A_177 = vector.shape_cast %add3A_172 : vector<16xf32> to vector<1x16xf32>
        tpu.vector_store %arg10[%swap3A_173, %swap3A_174], %swap3A_177 {strides = array<i32>} : memref<800x64xf32, #tpu.memory_space<vmem>>, vector<1x16xf32>,
        %get3A_178 = arith.index_cast %add3A_157 : i32 to index
        %get3A_179 = arith.constant 32 : index
        %get3A_180 = tpu.vector_load %arg10[%get3A_178, %get3A_179] {strides = array<i32>} : memref<800x64xf32, #tpu.memory_space<vmem>>, vector<1x16xf32>,
        %get3A_181 = vector.shape_cast %get3A_180 : vector<1x16xf32> to vector<16xf32>
        %add3A_182 = arith.addf %get3A_181, %get3A_110 : vector<16xf32>
        %swap3A_183 = arith.index_cast %add3A_157 : i32 to index
        %swap3A_184 = arith.constant 32 : index
        %swap3A_185 = tpu.vector_load %arg10[%swap3A_183, %swap3A_184] {strides = array<i32>} : memref<800x64xf32, #tpu.memory_space<vmem>>, vector<1x16xf32>,
        %swap3A_186 = vector.shape_cast %swap3A_185 : vector<1x16xf32> to vector<16xf32>
        %swap3A_187 = vector.shape_cast %add3A_182 : vector<16xf32> to vector<1x16xf32>
        tpu.vector_store %arg10[%swap3A_183, %swap3A_184], %swap3A_187 {strides = array<i32>} : memref<800x64xf32, #tpu.memory_space<vmem>>, vector<1x16xf32>,
        %get3A_188 = arith.index_cast %add3A_157 : i32 to index
        %get3A_189 = arith.constant 48 : index
        %get3A_190 = tpu.vector_load %arg10[%get3A_188, %get3A_189] {strides = array<i32>} : memref<800x64xf32, #tpu.memory_space<vmem>>, vector<1x16xf32>,
        %get3A_191 = vector.shape_cast %get3A_190 : vector<1x16xf32> to vector<16xf32>
        %add3A_192 = arith.addf %get3A_191, %get3A_114 : vector<16xf32>
        %swap3A_193 = arith.index_cast %add3A_157 : i32 to index
        %swap3A_194 = arith.constant 48 : index
        %swap3A_195 = tpu.vector_load %arg10[%swap3A_193, %swap3A_194] {strides = array<i32>} : memref<800x64xf32, #tpu.memory_space<vmem>>, vector<1x16xf32>,
        %swap3A_196 = vector.shape_cast %swap3A_195 : vector<1x16xf32> to vector<16xf32>
        %swap3A_197 = vector.shape_cast %add3A_192 : vector<16xf32> to vector<1x16xf32>
        tpu.vector_store %arg10[%swap3A_193, %swap3A_194], %swap3A_197 {strides = array<i32>} : memref<800x64xf32, #tpu.memory_space<vmem>>, vector<1x16xf32>,
        %add3A_198 = arith.constant 400 : i32
        %add3A_199 = arith.addi %add3A_198, %scan3A_99 : i32
        %get3A_200 = arith.index_cast %add3A_199 : i32 to index
        %get3A_201 = arith.constant 0 : index
        %get3A_202 = tpu.vector_load %arg10[%get3A_200, %get3A_201] {strides = array<i32>} : memref<800x64xf32, #tpu.memory_space<vmem>>, vector<1x16xf32>,
        %get3A_203 = vector.shape_cast %get3A_202 : vector<1x16xf32> to vector<16xf32>
        %add3A_204 = arith.addf %get3A_203, %get3A_102 : vector<16xf32>
        %swap3A_205 = arith.index_cast %add3A_199 : i32 to index
        %swap3A_206 = arith.constant 0 : index
        %swap3A_207 = tpu.vector_load %arg10[%swap3A_205, %swap3A_206] {strides = array<i32>} : memref<800x64xf32, #tpu.memory_space<vmem>>, vector<1x16xf32>,
        %swap3A_208 = vector.shape_cast %swap3A_207 : vector<1x16xf32> to vector<16xf32>
        %swap3A_209 = vector.shape_cast %add3A_204 : vector<16xf32> to vector<1x16xf32>
        tpu.vector_store %arg10[%swap3A_205, %swap3A_206], %swap3A_209 {strides = array<i32>} : memref<800x64xf32, #tpu.memory_space<vmem>>, vector<1x16xf32>,
        %get3A_210 = arith.index_cast %add3A_199 : i32 to index
        %get3A_211 = arith.constant 16 : index
        %get3A_212 = tpu.vector_load %arg10[%get3A_210, %get3A_211] {strides = array<i32>} : memref<800x64xf32, #tpu.memory_space<vmem>>, vector<1x16xf32>,
        %get3A_213 = vector.shape_cast %get3A_212 : vector<1x16xf32> to vector<16xf32>
        %add3A_214 = arith.addf %get3A_213, %get3A_106 : vector<16xf32>
        %swap3A_215 = arith.index_cast %add3A_199 : i32 to index
        %swap3A_216 = arith.constant 16 : index
        %swap3A_217 = tpu.vector_load %arg10[%swap3A_215, %swap3A_216] {strides = array<i32>} : memref<800x64xf32, #tpu.memory_space<vmem>>, vector<1x16xf32>,
        %swap3A_218 = vector.shape_cast %swap3A_217 : vector<1x16xf32> to vector<16xf32>
        %swap3A_219 = vector.shape_cast %add3A_214 : vector<16xf32> to vector<1x16xf32>
        tpu.vector_store %arg10[%swap3A_215, %swap3A_216], %swap3A_219 {strides = array<i32>} : memref<800x64xf32, #tpu.memory_space<vmem>>, vector<1x16xf32>,
        %get3A_220 = arith.index_cast %add3A_199 : i32 to index
        %get3A_221 = arith.constant 32 : index
        %get3A_222 = tpu.vector_load %arg10[%get3A_220, %get3A_221] {strides = array<i32>} : memref<800x64xf32, #tpu.memory_space<vmem>>, vector<1x16xf32>,
        %get3A_223 = vector.shape_cast %get3A_222 : vector<1x16xf32> to vector<16xf32>
        %add3A_224 = arith.addf %get3A_223, %get3A_110 : vector<16xf32>
        %swap3A_225 = arith.index_cast %add3A_199 : i32 to index
        %swap3A_226 = arith.constant 32 : index
        %swap3A_227 = tpu.vector_load %arg10[%swap3A_225, %swap3A_226] {strides = array<i32>} : memref<800x64xf32, #tpu.memory_space<vmem>>, vector<1x16xf32>,
        %swap3A_228 = vector.shape_cast %swap3A_227 : vector<1x16xf32> to vector<16xf32>
        %swap3A_229 = vector.shape_cast %add3A_224 : vector<16xf32> to vector<1x16xf32>
        tpu.vector_store %arg10[%swap3A_225, %swap3A_226], %swap3A_229 {strides = array<i32>} : memref<800x64xf32, #tpu.memory_space<vmem>>, vector<1x16xf32>,
        %get3A_230 = arith.index_cast %add3A_199 : i32 to index
        %get3A_231 = arith.constant 48 : index
        %get3A_232 = tpu.vector_load %arg10[%get3A_230, %get3A_231] {strides = array<i32>} : memref<800x64xf32, #tpu.memory_space<vmem>>, vector<1x16xf32>,
        %get3A_233 = vector.shape_cast %get3A_232 : vector<1x16xf32> to vector<16xf32>
        %add3A_234 = arith.addf %get3A_233, %get3A_114 : vector<16xf32>
        %swap3A_235 = arith.index_cast %add3A_199 : i32 to index
        %swap3A_236 = arith.constant 48 : index
        %swap3A_237 = tpu.vector_load %arg10[%swap3A_235, %swap3A_236] {strides = array<i32>} : memref<800x64xf32, #tpu.memory_space<vmem>>, vector<1x16xf32>,
        %swap3A_238 = vector.shape_cast %swap3A_237 : vector<1x16xf32> to vector<16xf32>
        %swap3A_239 = vector.shape_cast %add3A_234 : vector<16xf32> to vector<1x16xf32>
        tpu.vector_store %arg10[%swap3A_235, %swap3A_236], %swap3A_239 {strides = array<i32>} : memref<800x64xf32, #tpu.memory_space<vmem>>, vector<1x16xf32>,
        %add3A_240 = arith.constant 600 : i32
        %add3A_241 = arith.addi %add3A_240, %scan3A_99 : i32
        %get3A_242 = arith.index_cast %add3A_241 : i32 to index
        %get3A_243 = arith.constant 0 : index
        %get3A_244 = tpu.vector_load %arg10[%get3A_242, %get3A_243] {strides = array<i32>} : memref<800x64xf32, #tpu.memory_space<vmem>>, vector<1x16xf32>,
        %get3A_245 = vector.shape_cast %get3A_244 : vector<1x16xf32> to vector<16xf32>
        %add3A_246 = arith.addf %get3A_245, %get3A_102 : vector<16xf32>
        %swap3A_247 = arith.index_cast %add3A_241 : i32 to index
        %swap3A_248 = arith.constant 0 : index
        %swap3A_249 = tpu.vector_load %arg10[%swap3A_247, %swap3A_248] {strides = array<i32>} : memref<800x64xf32, #tpu.memory_space<vmem>>, vector<1x16xf32>,
        %swap3A_250 = vector.shape_cast %swap3A_249 : vector<1x16xf32> to vector<16xf32>
        %swap3A_251 = vector.shape_cast %add3A_246 : vector<16xf32> to vector<1x16xf32>
        tpu.vector_store %arg10[%swap3A_247, %swap3A_248], %swap3A_251 {strides = array<i32>} : memref<800x64xf32, #tpu.memory_space<vmem>>, vector<1x16xf32>,
        %get3A_252 = arith.index_cast %add3A_241 : i32 to index
        %get3A_253 = arith.constant 16 : index
        %get3A_254 = tpu.vector_load %arg10[%get3A_252, %get3A_253] {strides = array<i32>} : memref<800x64xf32, #tpu.memory_space<vmem>>, vector<1x16xf32>,
        %get3A_255 = vector.shape_cast %get3A_254 : vector<1x16xf32> to vector<16xf32>
        %add3A_256 = arith.addf %get3A_255, %get3A_106 : vector<16xf32>
        %swap3A_257 = arith.index_cast %add3A_241 : i32 to index
        %swap3A_258 = arith.constant 16 : index
        %swap3A_259 = tpu.vector_load %arg10[%swap3A_257, %swap3A_258] {strides = array<i32>} : memref<800x64xf32, #tpu.memory_space<vmem>>, vector<1x16xf32>,
        %swap3A_260 = vector.shape_cast %swap3A_259 : vector<1x16xf32> to vector<16xf32>
        %swap3A_261 = vector.shape_cast %add3A_256 : vector<16xf32> to vector<1x16xf32>
        tpu.vector_store %arg10[%swap3A_257, %swap3A_258], %swap3A_261 {strides = array<i32>} : memref<800x64xf32, #tpu.memory_space<vmem>>, vector<1x16xf32>,
        %get3A_262 = arith.index_cast %add3A_241 : i32 to index
        %get3A_263 = arith.constant 32 : index
        %get3A_264 = tpu.vector_load %arg10[%get3A_262, %get3A_263] {strides = array<i32>} : memref<800x64xf32, #tpu.memory_space<vmem>>, vector<1x16xf32>,
        %get3A_265 = vector.shape_cast %get3A_264 : vector<1x16xf32> to vector<16xf32>
        %add3A_266 = arith.addf %get3A_265, %get3A_110 : vector<16xf32>
        %swap3A_267 = arith.index_cast %add3A_241 : i32 to index
        %swap3A_268 = arith.constant 32 : index
        %swap3A_269 = tpu.vector_load %arg10[%swap3A_267, %swap3A_268] {strides = array<i32>} : memref<800x64xf32, #tpu.memory_space<vmem>>, vector<1x16xf32>,
        %swap3A_270 = vector.shape_cast %swap3A_269 : vector<1x16xf32> to vector<16xf32>
        %swap3A_271 = vector.shape_cast %add3A_266 : vector<16xf32> to vector<1x16xf32>
        tpu.vector_store %arg10[%swap3A_267, %swap3A_268], %swap3A_271 {strides = array<i32>} : memref<800x64xf32, #tpu.memory_space<vmem>>, vector<1x16xf32>,
        %get3A_272 = arith.index_cast %add3A_241 : i32 to index
        %get3A_273 = arith.constant 48 : index
        %get3A_274 = tpu.vector_load %arg10[%get3A_272, %get3A_273] {strides = array<i32>} : memref<800x64xf32, #tpu.memory_space<vmem>>, vector<1x16xf32>,
        %get3A_275 = vector.shape_cast %get3A_274 : vector<1x16xf32> to vector<16xf32>
        %add3A_276 = arith.addf %get3A_275, %get3A_114 : vector<16xf32>
        %swap3A_277 = arith.index_cast %add3A_241 : i32 to index
        %swap3A_278 = arith.constant 48 : index
        %swap3A_279 = tpu.vector_load %arg10[%swap3A_277, %swap3A_278] {strides = array<i32>} : memref<800x64xf32, #tpu.memory_space<vmem>>, vector<1x16xf32>,
        %swap3A_280 = vector.shape_cast %swap3A_279 : vector<1x16xf32> to vector<16xf32>
        %swap3A_281 = vector.shape_cast %add3A_276 : vector<16xf32> to vector<1x16xf32>
        tpu.vector_store %arg10[%swap3A_277, %swap3A_278], %swap3A_281 {strides = array<i32>} : memref<800x64xf32, #tpu.memory_space<vmem>>, vector<1x16xf32>,
        %scan3A_282 = arith.constant 1 : i32
        %scan3A_283 = arith.addi %scan3A_99, %scan3A_282 : i32
        %get3A_284 = arith.index_cast %scan3A_283 : i32 to index
        %get3A_285 = arith.constant 0 : index
        %get3A_286 = tpu.vector_load %arg6[%get3A_284, %get3A_285] {strides = array<i32>} : memref<200x64xf32, #tpu.memory_space<vmem>>, vector<1x16xf32>,
        %get3A_287 = vector.shape_cast %get3A_286 : vector<1x16xf32> to vector<16xf32>
        %get3A_288 = arith.index_cast %scan3A_283 : i32 to index
        %get3A_289 = arith.constant 16 : index
        %get3A_290 = tpu.vector_load %arg6[%get3A_288, %get3A_289] {strides = array<i32>} : memref<200x64xf32, #tpu.memory_space<vmem>>, vector<1x16xf32>,
        %get3A_291 = vector.shape_cast %get3A_290 : vector<1x16xf32> to vector<16xf32>
        %get3A_292 = arith.index_cast %scan3A_283 : i32 to index
        %get3A_293 = arith.constant 32 : index
        %get3A_294 = tpu.vector_load %arg6[%get3A_292, %get3A_293] {strides = array<i32>} : memref<200x64xf32, #tpu.memory_space<vmem>>, vector<1x16xf32>,
        %get3A_295 = vector.shape_cast %get3A_294 : vector<1x16xf32> to vector<16xf32>
        %get3A_296 = arith.index_cast %scan3A_283 : i32 to index
        %get3A_297 = arith.constant 48 : index
        %get3A_298 = tpu.vector_load %arg6[%get3A_296, %get3A_297] {strides = array<i32>} : memref<200x64xf32, #tpu.memory_space<vmem>>, vector<1x16xf32>,
        %get3A_299 = vector.shape_cast %get3A_298 : vector<1x16xf32> to vector<16xf32>
        %add3A_300 = arith.constant 0 : i32
        %add3A_301 = arith.addi %add3A_300, %scan3A_283 : i32
        %get3A_302 = arith.index_cast %add3A_301 : i32 to index
        %get3A_303 = arith.constant 0 : index
        %get3A_304 = tpu.vector_load %arg10[%get3A_302, %get3A_303] {strides = array<i32>} : memref<800x64xf32, #tpu.memory_space<vmem>>, vector<1x16xf32>,
        %get3A_305 = vector.shape_cast %get3A_304 : vector<1x16xf32> to vector<16xf32>
        %add3A_306 = arith.addf %get3A_305, %get3A_287 : vector<16xf32>
        %swap3A_307 = arith.index_cast %add3A_301 : i32 to index
        %swap3A_308 = arith.constant 0 : index
        %swap3A_309 = tpu.vector_load %arg10[%swap3A_307, %swap3A_308] {strides = array<i32>} : memref<800x64xf32, #tpu.memory_space<vmem>>, vector<1x16xf32>,
        %swap3A_310 = vector.shape_cast %swap3A_309 : vector<1x16xf32> to vector<16xf32>
        %swap3A_311 = vector.shape_cast %add3A_306 : vector<16xf32> to vector<1x16xf32>
        tpu.vector_store %arg10[%swap3A_307, %swap3A_308], %swap3A_311 {strides = array<i32>} : memref<800x64xf32, #tpu.memory_space<vmem>>, vector<1x16xf32>,
        %get3A_312 = arith.index_cast %add3A_301 : i32 to index
        %get3A_313 = arith.constant 16 : index
        %get3A_314 = tpu.vector_load %arg10[%get3A_312, %get3A_313] {strides = array<i32>} : memref<800x64xf32, #tpu.memory_space<vmem>>, vector<1x16xf32>,
        %get3A_315 = vector.shape_cast %get3A_314 : vector<1x16xf32> to vector<16xf32>
        %add3A_316 = arith.addf %get3A_315, %get3A_291 : vector<16xf32>
        %swap3A_317 = arith.index_cast %add3A_301 : i32 to index
        %swap3A_318 = arith.constant 16 : index
        %swap3A_319 = tpu.vector_load %arg10[%swap3A_317, %swap3A_318] {strides = array<i32>} : memref<800x64xf32, #tpu.memory_space<vmem>>, vector<1x16xf32>,
        %swap3A_320 = vector.shape_cast %swap3A_319 : vector<1x16xf32> to vector<16xf32>
        %swap3A_321 = vector.shape_cast %add3A_316 : vector<16xf32> to vector<1x16xf32>
        tpu.vector_store %arg10[%swap3A_317, %swap3A_318], %swap3A_321 {strides = array<i32>} : memref<800x64xf32, #tpu.memory_space<vmem>>, vector<1x16xf32>,
        %get3A_322 = arith.index_cast %add3A_301 : i32 to index
        %get3A_323 = arith.constant 32 : index
        %get3A_324 = tpu.vector_load %arg10[%get3A_322, %get3A_323] {strides = array<i32>} : memref<800x64xf32, #tpu.memory_space<vmem>>, vector<1x16xf32>,
        %get3A_325 = vector.shape_cast %get3A_324 : vector<1x16xf32> to vector<16xf32>
        %add3A_326 = arith.addf %get3A_325, %get3A_295 : vector<16xf32>
        %swap3A_327 = arith.index_cast %add3A_301 : i32 to index
        %swap3A_328 = arith.constant 32 : index
        %swap3A_329 = tpu.vector_load %arg10[%swap3A_327, %swap3A_328] {strides = array<i32>} : memref<800x64xf32, #tpu.memory_space<vmem>>, vector<1x16xf32>,
        %swap3A_330 = vector.shape_cast %swap3A_329 : vector<1x16xf32> to vector<16xf32>
        %swap3A_331 = vector.shape_cast %add3A_326 : vector<16xf32> to vector<1x16xf32>
        tpu.vector_store %arg10[%swap3A_327, %swap3A_328], %swap3A_331 {strides = array<i32>} : memref<800x64xf32, #tpu.memory_space<vmem>>, vector<1x16xf32>,
        %get3A_332 = arith.index_cast %add3A_301 : i32 to index
        %get3A_333 = arith.constant 48 : index
        %get3A_334 = tpu.vector_load %arg10[%get3A_332, %get3A_333] {strides = array<i32>} : memref<800x64xf32, #tpu.memory_space<vmem>>, vector<1x16xf32>,
        %get3A_335 = vector.shape_cast %get3A_334 : vector<1x16xf32> to vector<16xf32>
        %add3A_336 = arith.addf %get3A_335, %get3A_299 : vector<16xf32>
        %swap3A_337 = arith.index_cast %add3A_301 : i32 to index
        %swap3A_338 = arith.constant 48 : index
        %swap3A_339 = tpu.vector_load %arg10[%swap3A_337, %swap3A_338] {strides = array<i32>} : memref<800x64xf32, #tpu.memory_space<vmem>>, vector<1x16xf32>,
        %swap3A_340 = vector.shape_cast %swap3A_339 : vector<1x16xf32> to vector<16xf32>
        %swap3A_341 = vector.shape_cast %add3A_336 : vector<16xf32> to vector<1x16xf32>
        tpu.vector_store %arg10[%swap3A_337, %swap3A_338], %swap3A_341 {strides = array<i32>} : memref<800x64xf32, #tpu.memory_space<vmem>>, vector<1x16xf32>,
        %add3A_342 = arith.constant 200 : i32
        %add3A_343 = arith.addi %add3A_342, %scan3A_283 : i32
        %get3A_344 = arith.index_cast %add3A_343 : i32 to index
        %get3A_345 = arith.constant 0 : index
        %get3A_346 = tpu.vector_load %arg10[%get3A_344, %get3A_345] {strides = array<i32>} : memref<800x64xf32, #tpu.memory_space<vmem>>, vector<1x16xf32>,
        %get3A_347 = vector.shape_cast %get3A_346 : vector<1x16xf32> to vector<16xf32>
        %add3A_348 = arith.addf %get3A_347, %get3A_287 : vector<16xf32>
        %swap3A_349 = arith.index_cast %add3A_343 : i32 to index
        %swap3A_350 = arith.constant 0 : index
        %swap3A_351 = tpu.vector_load %arg10[%swap3A_349, %swap3A_350] {strides = array<i32>} : memref<800x64xf32, #tpu.memory_space<vmem>>, vector<1x16xf32>,
        %swap3A_352 = vector.shape_cast %swap3A_351 : vector<1x16xf32> to vector<16xf32>
        %swap3A_353 = vector.shape_cast %add3A_348 : vector<16xf32> to vector<1x16xf32>
        tpu.vector_store %arg10[%swap3A_349, %swap3A_350], %swap3A_353 {strides = array<i32>} : memref<800x64xf32, #tpu.memory_space<vmem>>, vector<1x16xf32>,
        %get3A_354 = arith.index_cast %add3A_343 : i32 to index
        %get3A_355 = arith.constant 16 : index
        %get3A_356 = tpu.vector_load %arg10[%get3A_354, %get3A_355] {strides = array<i32>} : memref<800x64xf32, #tpu.memory_space<vmem>>, vector<1x16xf32>,
        %get3A_357 = vector.shape_cast %get3A_356 : vector<1x16xf32> to vector<16xf32>
        %add3A_358 = arith.addf %get3A_357, %get3A_291 : vector<16xf32>
        %swap3A_359 = arith.index_cast %add3A_343 : i32 to index
        %swap3A_360 = arith.constant 16 : index
        %swap3A_361 = tpu.vector_load %arg10[%swap3A_359, %swap3A_360] {strides = array<i32>} : memref<800x64xf32, #tpu.memory_space<vmem>>, vector<1x16xf32>,
        %swap3A_362 = vector.shape_cast %swap3A_361 : vector<1x16xf32> to vector<16xf32>
        %swap3A_363 = vector.shape_cast %add3A_358 : vector<16xf32> to vector<1x16xf32>
        tpu.vector_store %arg10[%swap3A_359, %swap3A_360], %swap3A_363 {strides = array<i32>} : memref<800x64xf32, #tpu.memory_space<vmem>>, vector<1x16xf32>,
        %get3A_364 = arith.index_cast %add3A_343 : i32 to index
        %get3A_365 = arith.constant 32 : index
        %get3A_366 = tpu.vector_load %arg10[%get3A_364, %get3A_365] {strides = array<i32>} : memref<800x64xf32, #tpu.memory_space<vmem>>, vector<1x16xf32>,
        %get3A_367 = vector.shape_cast %get3A_366 : vector<1x16xf32> to vector<16xf32>
        %add3A_368 = arith.addf %get3A_367, %get3A_295 : vector<16xf32>
        %swap3A_369 = arith.index_cast %add3A_343 : i32 to index
        %swap3A_370 = arith.constant 32 : index
        %swap3A_371 = tpu.vector_load %arg10[%swap3A_369, %swap3A_370] {strides = array<i32>} : memref<800x64xf32, #tpu.memory_space<vmem>>, vector<1x16xf32>,
        %swap3A_372 = vector.shape_cast %swap3A_371 : vector<1x16xf32> to vector<16xf32>
        %swap3A_373 = vector.shape_cast %add3A_368 : vector<16xf32> to vector<1x16xf32>
        tpu.vector_store %arg10[%swap3A_369, %swap3A_370], %swap3A_373 {strides = array<i32>} : memref<800x64xf32, #tpu.memory_space<vmem>>, vector<1x16xf32>,
        %get3A_374 = arith.index_cast %add3A_343 : i32 to index
        %get3A_375 = arith.constant 48 : index
        %get3A_376 = tpu.vector_load %arg10[%get3A_374, %get3A_375] {strides = array<i32>} : memref<800x64xf32, #tpu.memory_space<vmem>>, vector<1x16xf32>,
        %get3A_377 = vector.shape_cast %get3A_376 : vector<1x16xf32> to vector<16xf32>
        %add3A_378 = arith.addf %get3A_377, %get3A_299 : vector<16xf32>
        %swap3A_379 = arith.index_cast %add3A_343 : i32 to index
        %swap3A_380 = arith.constant 48 : index
        %swap3A_381 = tpu.vector_load %arg10[%swap3A_379, %swap3A_380] {strides = array<i32>} : memref<800x64xf32, #tpu.memory_space<vmem>>, vector<1x16xf32>,
        %swap3A_382 = vector.shape_cast %swap3A_381 : vector<1x16xf32> to vector<16xf32>
        %swap3A_383 = vector.shape_cast %add3A_378 : vector<16xf32> to vector<1x16xf32>
        tpu.vector_store %arg10[%swap3A_379, %swap3A_380], %swap3A_383 {strides = array<i32>} : memref<800x64xf32, #tpu.memory_space<vmem>>, vector<1x16xf32>,
        %add3A_384 = arith.constant 400 : i32
        %add3A_385 = arith.addi %add3A_384, %scan3A_283 : i32
        %get3A_386 = arith.index_cast %add3A_385 : i32 to index
        %get3A_387 = arith.constant 0 : index
        %get3A_388 = tpu.vector_load %arg10[%get3A_386, %get3A_387] {strides = array<i32>} : memref<800x64xf32, #tpu.memory_space<vmem>>, vector<1x16xf32>,
        %get3A_389 = vector.shape_cast %get3A_388 : vector<1x16xf32> to vector<16xf32>
        %add3A_390 = arith.addf %get3A_389, %get3A_287 : vector<16xf32>
        %swap3A_391 = arith.index_cast %add3A_385 : i32 to index
        %swap3A_392 = arith.constant 0 : index
        %swap3A_393 = tpu.vector_load %arg10[%swap3A_391, %swap3A_392] {strides = array<i32>} : memref<800x64xf32, #tpu.memory_space<vmem>>, vector<1x16xf32>,
        %swap3A_394 = vector.shape_cast %swap3A_393 : vector<1x16xf32> to vector<16xf32>
        %swap3A_395 = vector.shape_cast %add3A_390 : vector<16xf32> to vector<1x16xf32>
        tpu.vector_store %arg10[%swap3A_391, %swap3A_392], %swap3A_395 {strides = array<i32>} : memref<800x64xf32, #tpu.memory_space<vmem>>, vector<1x16xf32>,
        %get3A_396 = arith.index_cast %add3A_385 : i32 to index
        %get3A_397 = arith.constant 16 : index
        %get3A_398 = tpu.vector_load %arg10[%get3A_396, %get3A_397] {strides = array<i32>} : memref<800x64xf32, #tpu.memory_space<vmem>>, vector<1x16xf32>,
        %get3A_399 = vector.shape_cast %get3A_398 : vector<1x16xf32> to vector<16xf32>
        %add3A_400 = arith.addf %get3A_399, %get3A_291 : vector<16xf32>
        %swap3A_401 = arith.index_cast %add3A_385 : i32 to index
        %swap3A_402 = arith.constant 16 : index
        %swap3A_403 = tpu.vector_load %arg10[%swap3A_401, %swap3A_402] {strides = array<i32>} : memref<800x64xf32, #tpu.memory_space<vmem>>, vector<1x16xf32>,
        %swap3A_404 = vector.shape_cast %swap3A_403 : vector<1x16xf32> to vector<16xf32>
        %swap3A_405 = vector.shape_cast %add3A_400 : vector<16xf32> to vector<1x16xf32>
        tpu.vector_store %arg10[%swap3A_401, %swap3A_402], %swap3A_405 {strides = array<i32>} : memref<800x64xf32, #tpu.memory_space<vmem>>, vector<1x16xf32>,
        %get3A_406 = arith.index_cast %add3A_385 : i32 to index
        %get3A_407 = arith.constant 32 : index
        %get3A_408 = tpu.vector_load %arg10[%get3A_406, %get3A_407] {strides = array<i32>} : memref<800x64xf32, #tpu.memory_space<vmem>>, vector<1x16xf32>,
        %get3A_409 = vector.shape_cast %get3A_408 : vector<1x16xf32> to vector<16xf32>
        %add3A_410 = arith.addf %get3A_409, %get3A_295 : vector<16xf32>
        %swap3A_411 = arith.index_cast %add3A_385 : i32 to index
        %swap3A_412 = arith.constant 32 : index
        %swap3A_413 = tpu.vector_load %arg10[%swap3A_411, %swap3A_412] {strides = array<i32>} : memref<800x64xf32, #tpu.memory_space<vmem>>, vector<1x16xf32>,
        %swap3A_414 = vector.shape_cast %swap3A_413 : vector<1x16xf32> to vector<16xf32>
        %swap3A_415 = vector.shape_cast %add3A_410 : vector<16xf32> to vector<1x16xf32>
        tpu.vector_store %arg10[%swap3A_411, %swap3A_412], %swap3A_415 {strides = array<i32>} : memref<800x64xf32, #tpu.memory_space<vmem>>, vector<1x16xf32>,
        %get3A_416 = arith.index_cast %add3A_385 : i32 to index
        %get3A_417 = arith.constant 48 : index
        %get3A_418 = tpu.vector_load %arg10[%get3A_416, %get3A_417] {strides = array<i32>} : memref<800x64xf32, #tpu.memory_space<vmem>>, vector<1x16xf32>,
        %get3A_419 = vector.shape_cast %get3A_418 : vector<1x16xf32> to vector<16xf32>
        %add3A_420 = arith.addf %get3A_419, %get3A_299 : vector<16xf32>
        %swap3A_421 = arith.index_cast %add3A_385 : i32 to index
        %swap3A_422 = arith.constant 48 : index
        %swap3A_423 = tpu.vector_load %arg10[%swap3A_421, %swap3A_422] {strides = array<i32>} : memref<800x64xf32, #tpu.memory_space<vmem>>, vector<1x16xf32>,
        %swap3A_424 = vector.shape_cast %swap3A_423 : vector<1x16xf32> to vector<16xf32>
        %swap3A_425 = vector.shape_cast %add3A_420 : vector<16xf32> to vector<1x16xf32>
        tpu.vector_store %arg10[%swap3A_421, %swap3A_422], %swap3A_425 {strides = array<i32>} : memref<800x64xf32, #tpu.memory_space<vmem>>, vector<1x16xf32>,
        %add3A_426 = arith.constant 600 : i32
        %add3A_427 = arith.addi %add3A_426, %scan3A_283 : i32
        %get3A_428 = arith.index_cast %add3A_427 : i32 to index
        %get3A_429 = arith.constant 0 : index
        %get3A_430 = tpu.vector_load %arg10[%get3A_428, %get3A_429] {strides = array<i32>} : memref<800x64xf32, #tpu.memory_space<vmem>>, vector<1x16xf32>,
        %get3A_431 = vector.shape_cast %get3A_430 : vector<1x16xf32> to vector<16xf32>
        %add3A_432 = arith.addf %get3A_431, %get3A_287 : vector<16xf32>
        %swap3A_433 = arith.index_cast %add3A_427 : i32 to index
        %swap3A_434 = arith.constant 0 : index
        %swap3A_435 = tpu.vector_load %arg10[%swap3A_433, %swap3A_434] {strides = array<i32>} : memref<800x64xf32, #tpu.memory_space<vmem>>, vector<1x16xf32>,
        %swap3A_436 = vector.shape_cast %swap3A_435 : vector<1x16xf32> to vector<16xf32>
        %swap3A_437 = vector.shape_cast %add3A_432 : vector<16xf32> to vector<1x16xf32>
        tpu.vector_store %arg10[%swap3A_433, %swap3A_434], %swap3A_437 {strides = array<i32>} : memref<800x64xf32, #tpu.memory_space<vmem>>, vector<1x16xf32>,
        %get3A_438 = arith.index_cast %add3A_427 : i32 to index
        %get3A_439 = arith.constant 16 : index
        %get3A_440 = tpu.vector_load %arg10[%get3A_438, %get3A_439] {strides = array<i32>} : memref<800x64xf32, #tpu.memory_space<vmem>>, vector<1x16xf32>,
        %get3A_441 = vector.shape_cast %get3A_440 : vector<1x16xf32> to vector<16xf32>
        %add3A_442 = arith.addf %get3A_441, %get3A_291 : vector<16xf32>
        %swap3A_443 = arith.index_cast %add3A_427 : i32 to index
        %swap3A_444 = arith.constant 16 : index
        %swap3A_445 = tpu.vector_load %arg10[%swap3A_443, %swap3A_444] {strides = array<i32>} : memref<800x64xf32, #tpu.memory_space<vmem>>, vector<1x16xf32>,
        %swap3A_446 = vector.shape_cast %swap3A_445 : vector<1x16xf32> to vector<16xf32>
        %swap3A_447 = vector.shape_cast %add3A_442 : vector<16xf32> to vector<1x16xf32>
        tpu.vector_store %arg10[%swap3A_443, %swap3A_444], %swap3A_447 {strides = array<i32>} : memref<800x64xf32, #tpu.memory_space<vmem>>, vector<1x16xf32>,
        %get3A_448 = arith.index_cast %add3A_427 : i32 to index
        %get3A_449 = arith.constant 32 : index
        %get3A_450 = tpu.vector_load %arg10[%get3A_448, %get3A_449] {strides = array<i32>} : memref<800x64xf32, #tpu.memory_space<vmem>>, vector<1x16xf32>,
        %get3A_451 = vector.shape_cast %get3A_450 : vector<1x16xf32> to vector<16xf32>
        %add3A_452 = arith.addf %get3A_451, %get3A_295 : vector<16xf32>
        %swap3A_453 = arith.index_cast %add3A_427 : i32 to index
        %swap3A_454 = arith.constant 32 : index
        %swap3A_455 = tpu.vector_load %arg10[%swap3A_453, %swap3A_454] {strides = array<i32>} : memref<800x64xf32, #tpu.memory_space<vmem>>, vector<1x16xf32>,
        %swap3A_456 = vector.shape_cast %swap3A_455 : vector<1x16xf32> to vector<16xf32>
        %swap3A_457 = vector.shape_cast %add3A_452 : vector<16xf32> to vector<1x16xf32>
        tpu.vector_store %arg10[%swap3A_453, %swap3A_454], %swap3A_457 {strides = array<i32>} : memref<800x64xf32, #tpu.memory_space<vmem>>, vector<1x16xf32>,
        %get3A_458 = arith.index_cast %add3A_427 : i32 to index
        %get3A_459 = arith.constant 48 : index
        %get3A_460 = tpu.vector_load %arg10[%get3A_458, %get3A_459] {strides = array<i32>} : memref<800x64xf32, #tpu.memory_space<vmem>>, vector<1x16xf32>,
        %get3A_461 = vector.shape_cast %get3A_460 : vector<1x16xf32> to vector<16xf32>
        %add3A_462 = arith.addf %get3A_461, %get3A_299 : vector<16xf32>
        %swap3A_463 = arith.index_cast %add3A_427 : i32 to index
        %swap3A_464 = arith.constant 48 : index
        %swap3A_465 = tpu.vector_load %arg10[%swap3A_463, %swap3A_464] {strides = array<i32>} : memref<800x64xf32, #tpu.memory_space<vmem>>, vector<1x16xf32>,
        %swap3A_466 = vector.shape_cast %swap3A_465 : vector<1x16xf32> to vector<16xf32>
        %swap3A_467 = vector.shape_cast %add3A_462 : vector<16xf32> to vector<1x16xf32>
        tpu.vector_store %arg10[%swap3A_463, %swap3A_464], %swap3A_467 {strides = array<i32>} : memref<800x64xf32, #tpu.memory_space<vmem>>, vector<1x16xf32>,
      }
      %scan3A_91 = arith.constant 200 : i32
      %mul3A_92 = arith.constant 800 : i32
      %mul3A_93 = arith.muli %add3A_68, %mul3A_92 : i32
      %add3A_94 = arith.addi %mul3A_2, %mul3A_93 : i32
      %dma_start3A_95 = arith.constant 0 : i32
      %dma_start3A_96 = tpu.memref_slice %arg5[%add3A_94, %dma_start3A_95] : memref<819200x128xf32, #tpu.memory_space<hbm>> -> memref<800x64xf32, #tpu.memory_space<hbm>>
      %dma_start3A_97 = arith.constant 0 : i32
      %dma_start3A_98 = tpu.memref_slice %arg5[%add3A_94, %dma_start3A_97] : memref<819200x128xf32, #tpu.memory_space<hbm>> -> memref<800x64xf32, #tpu.memory_space<hbm>>
      tpu.enqueue_dma source(%arg10 : memref<800x64xf32, #tpu.memory_space<vmem>>) target(%dma_start3A_98 : memref<800x64xf32, #tpu.memory_space<hbm>>) target_semaphore(%arg16 : memref<!tpu.dma_semaphore, #tpu.memory_space<semaphore_mem>>)
    }
    %scan3A_20 = arith.constant 16 : i32
    %add3A_21 = arith.constant 24000 : i32
    %add3A_22 = arith.addi %mul3A_2, %add3A_21 : i32
    %dma_wait3A_23 = arith.constant 0 : i32
    %dma_wait3A_24 = tpu.memref_slice %arg5[%add3A_22, %dma_wait3A_23] : memref<819200x128xf32, #tpu.memory_space<hbm>> -> memref<800x64xf32, #tpu.memory_space<hbm>>
    %dma_wait3A_25 = arith.constant 0 : i32
    %dma_wait3A_26 = tpu.memref_slice %arg5[%add3A_22, %dma_wait3A_25] : memref<819200x128xf32, #tpu.memory_space<hbm>> -> memref<800x64xf32, #tpu.memory_space<hbm>>
    tpu.wait_dma2 semaphore(%arg15 : memref<!tpu.dma_semaphore, #tpu.memory_space<semaphore_mem>>) src(%arg9 : memref<800x64xf32, #tpu.memory_space<vmem>>) dst(%dma_wait3A_26 : memref<800x64xf32, #tpu.memory_space<hbm>>)
    %add3A_27 = arith.constant 24800 : i32
    %add3A_28 = arith.addi %mul3A_2, %add3A_27 : i32
    %dma_wait3A_29 = arith.constant 0 : i32
    %dma_wait3A_30 = tpu.memref_slice %arg5[%add3A_28, %dma_wait3A_29] : memref<819200x128xf32, #tpu.memory_space<hbm>> -> memref<800x64xf32, #tpu.memory_space<hbm>>
    %dma_wait3A_31 = arith.constant 0 : i32
    %dma_wait3A_32 = tpu.memref_slice %arg5[%add3A_28, %dma_wait3A_31] : memref<819200x128xf32, #tpu.memory_space<hbm>> -> memref<800x64xf32, #tpu.memory_space<hbm>>
    tpu.wait_dma2 semaphore(%arg16 : memref<!tpu.dma_semaphore, #tpu.memory_space<semaphore_mem>>) src(%arg10 : memref<800x64xf32, #tpu.memory_space<vmem>>) dst(%dma_wait3A_32 : memref<800x64xf32, #tpu.memory_space<hbm>>)
    return
  }
}

</mosaic_0001>

<sc_bundles>
// kernel: _sc_embed.3.cloned.1.call-start
scs
__scs_entry_jumppad:
0x0: {  	(pc) =	sbr.rel $0x88, $3  }
0x1: {  	(tag) =	ssettag $0x0;
	lr =	simm.s32 $0x1  }
0x2: {  	[smem:$0x3F9E] =	sst lr;
	_ =	strace $0xD0000000  }
0x3: {  	_ = 	snop  }
0x4: {  	_ = 	snop  }
0x5: {  	_ = 	snop  }
0x6: {  	_ = 	snop  }
0x7: {  	_ = 	snop  }
__scs_overlays_trampoline_lowered:
0x8: {  	[smem:$0x3FAD] =	sst s0  }
0x9: {  	[smem:$0x3FAE] =	sst s1  }
0xa: {  	[smem:$0x3FAF] =	sst s2  }
0xb: {  	[smem:$0x3FB0] =	sst s3  }
0xc: {  	[smem:$0x3FB1] =	sst s4  }
0xd: {  	[smem:$0x3FB2] =	sst s5  }
0xe: {  	[smem:$0x3FB3] =	sst s6  }
0xf: {  	[smem:$0x3FB4] =	sst s7  }
0x10: {  	[smem:$0x3FB5] =	sst s8  }
0x11: {  	[smem:$0x3FB6] =	sst s9;
	s0 =	simm.s32 @!p0 $0x0  }
0x12: {  	s1 =	sld [smem:$0x3F9C];
	s0 =	simm.s32 @p0 $0x1  }
0x13: {  	[smem:$0x3FB7] =	sst s0;
	s0 =	simm.s32 @!p1 $0x0  }
0x14: {  	s2 =	sld [smem:$0x3F9B];
	s0 =	simm.s32 @p1 $0x1  }
0x15: {  	[smem:$0x3FB8] =	sst s0;
	s0 =	simm.s32 @!p2 $0x0  }
0x16: {  	s3 =	sld [smem:$0x3FDB];
	s0 =	simm.s32 @p2 $0x1  }
0x17: {  	s4 =	simm.s32 $0x1BF5;
	[smem:$0x3FBA] =	sst s0  }
0x18: {  	s0 =	sld [smem:$0x3F9D];
	_ =	swait.ge [sflag:s4], $0x0  }
0x19: {  	s7 =	sld [smem:$0x3F9E]  }
0x1a: {  	s8 =	sadd.s32 $0xFFFFE003, lr  }
0x1b: {  	s9 =	sadd.s32 $0xFFFFFEF7, lr;
	s5 =	simm.s32 $0xFFFFFFFF;
	p2 =	slt.u32 s8, $0xFFFFF086  }
0x1c: {  	p1 =	slt.u32 s9, $0xF7A;
	s5 =	simm.s32 @!p2 $0x0  }
0x1d: {  	s5 =	simm.s32 @p1 $0x1;
	p0 =	seq.s32 s7, s2  }
0x1e: {  	s7 =	smul.u32 @!p0 $0xF7A, s2;
	p2 =	seq.s32 @!p0 s5, $0x0  }
0x1f: {  	s9 =	smul.u32 $0xF7A, s1;
	s8 =	simm.s32 @!p0 $0x1BF5;
	p2 =	por !p2, p0  }
0x20: {  	[sflag:s8] =	ssyncset.s32 @!p0 $0xFFFFF086;
	s6 =	sadd.s32 @!p0 s3, s7;
	s7 =	simm.s32 @!p0 $0x108  }
0x21: {  	s3 =	sadd.s32 s3, s9;
	s6 =	sadd.s32 @!p0 $0x88, s6;
	s7 =	simm.s32 @p2 $0x1082  }
0x22: {  	[simem:s7], [sflag:s8] =	dma.local @!p0 [hbm:s6], $0xF7A  }
0x23: {  	s9 =	sor.u32 $0xD0000000, s2;
	s6 =	simm.s32 $0x108;
	_ =	swait.ge @!p0 [sflag:s8], $0x0  }
0x24: {  	s3 =	sadd.s32 $0x88, s3;
	s6 =	simm.s32 @!p1 $0x1082;
	[sflag:s4] =	ssyncset.s32 $0xFFFFF086  }
0x25: {  	[simem:s6], [sflag:s4] =	dma.local [hbm:s3], $0xF7A  }
0x26: {  	[smem:$0x3F9E] =	sst s1;
	(tag) =	ssettag s2;
	_ =	strace s9  }
0x27: {  	s1 =	sld [smem:$0x3FAE]  }
0x28: {  	s2 =	sld [smem:$0x3FAF]  }
0x29: {  	s4 =	sld [smem:$0x3FB1]  }
0x2a: {  	p0 =	seq.s32 s5, $0x0;
	s5 =	sld [smem:$0x3FB2]  }
0x2b: {  	s6 =	sld [smem:$0x3FB3]  }
0x2c: {  	s7 =	sld [smem:$0x3FB4]  }
0x2d: {  	s3 =	simm.s32 $0x108;
	s8 =	sld [smem:$0x3FB5]  }
0x2e: {  	s3 =	simm.s32 @!p0 $0x1082;
	s9 =	sld [smem:$0x3FB6]  }
0x2f: {  	lr =	sadd.s32 s0, s3;
	s0 =	sld [smem:$0x3FAD]  }
0x30: {  	s3 =	sld [smem:$0x3FB0]  }
0x31: {  	[smem:$0x3FB9] =	sst s10  }
0x32: {  	s10 =	sld [smem:$0x3FB7];
	_ =	sdelay $0x3  }
0x33: {  	p0 =	seq.s32 s10, $0x1;
	s10 =	sld [smem:$0x3FB9];
	_ =	sdelay $0x3  }
0x34: {  	[smem:$0x3FB9] =	sst s10  }
0x35: {  	s10 =	sld [smem:$0x3FB8];
	_ =	sdelay $0x3  }
0x36: {  	p1 =	seq.s32 s10, $0x1;
	s10 =	sld [smem:$0x3FB9];
	_ =	sdelay $0x3  }
0x37: {  	[smem:$0x3FB9] =	sst s10  }
0x38: {  	s10 =	sld [smem:$0x3FBA]  }
0x39: {  	_ = 	snop;
	(pc) =	sbr.ind lr, $3  }
0x3a: {  	_ = 	snop  }
0x3b: {  	_ = 	snop  }
0x3c: {  	p2 =	seq.s32 s10, $0x1;
	s10 =	sld [smem:$0x3FB9]  }
0x3d: {  	_ =	shalt  }
0x3e: {  	_ =	shalt  }
0x3f: {  	_ =	shalt  }
0x40: {  	_ =	shalt  }
0x41: {  	_ =	shalt  }
0x42: {  	_ =	shalt  }
0x43: {  	_ =	shalt  }
0x44: {  	_ =	shalt  }
0x45: {  	_ =	shalt  }
0x46: {  	_ =	shalt  }
0x47: {  	_ =	shalt  }
0x48: {  	_ =	shalt  }
0x49: {  	_ =	shalt  }
0x4a: {  	_ =	shalt  }
0x4b: {  	_ =	shalt  }
0x4c: {  	_ =	shalt  }
0x4d: {  	_ =	shalt  }
0x4e: {  	_ =	shalt  }
0x4f: {  	_ =	shalt  }
0x50: {  	_ =	shalt  }
0x51: {  	_ =	shalt  }
0x52: {  	_ =	shalt  }
0x53: {  	_ =	shalt  }
0x54: {  	_ =	shalt  }
0x55: {  	_ =	shalt  }
0x56: {  	_ =	shalt  }
0x57: {  	_ =	shalt  }
0x58: {  	_ =	shalt  }
0x59: {  	_ =	shalt  }
0x5a: {  	_ =	shalt  }
0x5b: {  	_ =	shalt  }
0x5c: {  	_ =	shalt  }
0x5d: {  	_ =	shalt  }
0x5e: {  	_ =	shalt  }
0x5f: {  	_ =	shalt  }
0x60: {  	_ =	shalt  }
0x61: {  	_ =	shalt  }
0x62: {  	_ =	shalt  }
0x63: {  	_ =	shalt  }
0x64: {  	_ =	shalt  }
0x65: {  	_ =	shalt  }
0x66: {  	_ =	shalt  }
0x67: {  	_ =	shalt  }
0x68: {  	_ =	shalt  }
0x69: {  	_ =	shalt  }
0x6a: {  	_ =	shalt  }
0x6b: {  	_ =	shalt  }
0x6c: {  	_ =	shalt  }
0x6d: {  	_ =	shalt  }
0x6e: {  	_ =	shalt  }
0x6f: {  	_ =	shalt  }
0x70: {  	_ =	shalt  }
0x71: {  	_ =	shalt  }
0x72: {  	_ =	shalt  }
0x73: {  	_ =	shalt  }
0x74: {  	_ =	shalt  }
0x75: {  	_ =	shalt  }
0x76: {  	_ =	shalt  }
0x77: {  	_ =	shalt  }
0x78: {  	_ =	shalt  }
0x79: {  	_ =	shalt  }
0x7a: {  	_ =	shalt  }
0x7b: {  	_ =	shalt  }
0x7c: {  	_ =	shalt  }
0x7d: {  	_ =	shalt  }
0x7e: {  	_ =	shalt  }
0x7f: {  	_ =	shalt  }
0x80: {  	_ =	shalt  }
0x81: {  	_ =	shalt  }
0x82: {  	_ =	shalt  }
0x83: {  	_ =	shalt  }
0x84: {  	_ =	shalt  }
0x85: {  	_ =	shalt  }
0x86: {  	_ =	shalt  }
0x87: {  	_ =	shalt  }
.Lfunc_end0:
.L_simem_size_0:
called_computation.1_lowered:
.L_overlay_start_0:
0x88: {  	s2 =	sld [smem:$0x3FD9]  }
0x89: {  	s3 =	sld [smem:$0x3FFE];
	_ =	sdelay $0x1  }
0x8a: {  	s1 =	srdreg.scid  }
0x8b: {  	s0 =	sand.u32 $0x1, s1  }
0x8c: {  	s17 =	sshll.u32 s0, $0xA;
	s2 =	sadd.s32 s3, s2  }
0x8d: {  	s2 =	sadd.s32 s2, s17  }
0x8e: {  	[smem:$0x3FC5] =	sst s2  }
0x8f: {  	_ = 	snop  }
0x90: {  	s2 =	sld [smem:$0x3FD0];
	(tm) =	ssettm $0x1  }
0x91: {  	s18 =	sld [smem:$0x3FFB];
	_ =	sdelay $0x3  }
0x92: {  	_ =	strace s18  }
0x93: {  	s3 =	sld [smem:$0x3FFC];
	_ =	sdelay $0x3  }
0x94: {  	_ =	strace s3  }
0x95: {  	s3 =	sld [smem:$0x3FFD];
	_ =	sdelay $0x3  }
0x96: {  	_ =	strace s3  }
0x97: {  	_ =	strace $0x8FFFFFFF  }
0x98: {  	s19 =	sld [smem:$0x3FDB];
	_ =	sdelay $0x1  }
0x99: {  	s4 =	simm.s32 $_scs_section_size  }
0x9a: {  	s5 =	simm.s32 $_size__tile_overlayer_lowered;
	s6 =	simm.s32 $_tile_overlayer_lowered  }
0x9b: {  	s22 =	simm.s32 $0x1BFF;
	s21 =	sshll.u32 s6, $0x1;
	s3 =	sadd.s32 s4, s19  }
0x9c: {  	s7 =	simm.s32 $0x0;
	s20 =	sshll.u32 s5, $0x1;
	s5 =	sadd.s32 s21, s3  }
0x9d: {  	[timem:s7], [sflag:s22] =	dma.local [hbm:s5], s20  }
0x9e: {  	_ =	swait.ge [sflag:s22], s20  }
0x9f: {  	s4 =	ssub.s32 $0x0, s20;
	[sflag:s22] =	ssyncset.done $0x0  }
0xa0: {  	[sflag:s22] =	ssyncadd.s32 s4;
	_ =	sdelay $0x1  }
0xa1: {  	s23 =	simm.s32 $0x1B8B  }
0xa2: {  	_ =	swait.ge [sflag:s23], $0x1  }
0xa3: {  	[sflag:s23] =	ssyncset.done $0x0  }
0xa4: {  	s25 =	simm.s32 $0x1B8E;
	s24 =	sld [smem:$0x3FFE];
	[sflag:s23] =	ssyncadd.s32 $0xFFFFFFFF  }
0xa5: {  	s26 =	simm.s32 $execute0_lowered;
	[smem:$0x3FD2] =	sst s25  }
0xa6: {  	s5 =	sshll.u32 s26, $0x1;
	_ =	strace $0x80000046;
	[dreg:$0x1] =	wrdreg $0xFFFFFFFF  }
0xa7: {  	s28 =	simm.s32 $_size_execute0_lowered;
	s3 =	sadd.s32 s3, s5;
	[dreg:$0x0] =	wrdreg $0x0  }
0xa8: {  	s5 =	sshll.u32 s28, $0x1;
	[dreg:$0x2] =	wrdreg s3  }
0xa9: {  	[dreg:$0x3] =	wrdreg s5  }
0xaa: {  	[dreg:$0x4] =	wrdreg $0xC0  }
0xab: {  	_ =	task [dreg:s7], $0x5FFFF  }
0xac: {  	[dreg:$0x1] =	wrdreg $0xFFFFFFFF  }
0xad: {  	[dreg:$0x0] =	wrdreg $0x60  }
0xae: {  	[dreg:$0x2] =	wrdreg s2  }
0xaf: {  	[dreg:$0x3] =	wrdreg s24  }
0xb0: {  	[dreg:$0x4] =	wrdreg $0x9  }
0xb1: {  	_ =	task.clear_ibuf [dreg:s7], $0x5FFFF;
	_ =	strace $0x90000046  }
0xb2: {  	s29 =	simm.s32 $0x9;
	_ =	strace $0x80000048  }
0xb3: {  	_ =	swait.ge [sflag:s29], $0x1  }
0xb4: {  	[sflag:s29] =	ssyncadd.s32 $0xFFFFFFFF  }
0xb5: {  	_ =	strace $0x90000048  }
0xb6: {  	_ =	sfence  }
0xb7: {  	s30 =	sld [smem:$0x0];
	_ =	sdelay $0x2  }
0xb8: {  	s31 =	sshll.u32 s1, $0xD;
	s1 =	sshrl.u32 s1, $0x2  }
0xb9: {  	s3 =	sand.u32 $0x4000, s31;
	s1 =	sadd.s32 s1, s30  }
0xba: {  	s0 =	sor.u32 s3, s0;
	s1 =	sshll.u32 s1, $0x11  }
0xbb: {  	s0 =	sor.u32 s1, s0  }
0xbc: {  	s0 =	sadd.s32 $0x8F2B, s0  }
0xbd: {  	[sflag:s0] =	ssyncadd.remote.s32 $0x1  }
0xbe: {  	_ =	sfence.sel $0xFFFF  }
0xbf: {  	[dreg:$0x0] =	wrdreg $0xFFFFFFFF;
	(pc) =	sbr.abs _section_cstart, $3  }
0xc0: {  	[dreg:$0x1] =	wrdreg $0xFFFFFFFF  }
0xc1: {  	_ =	task.clear_ibuf [dreg:s7], $0x2FFFF;
	_ =	strace $0x9FFFFFFF  }
0xc2: {  	(tm) =	ssettm $0x7FFFFFFF  }
0xc3: {  	_ =	shalt  }
tec
execute0_lowered:
.L_overlay_start_1:
0x0: {  	(tag) =	ssettag $0x1  }
0x1: {  	s2 =	rddreg [dreg:$0x0]  }
0x2: {  	s0 =	srdreg.scid;
	s3 =	stileid.u32  }
0x3: {  	s1 =	rddreg [dreg:$0x1];
	s14 =	simm.s32 $0x7;
	s15 =	simm.s32 $0x3200  }
0x4: {  	s16 =	simm.s32 $0x1;
	s17 =	simm.s32 $0x320;
	s18 =	simm.s32 $0x3840  }
0x5: {  	s19 =	simm.s32 $0x3520;
	s20 =	simm.s32 $0x2;
	s21 =	simm.s32 $0x10040  }
0x6: {  	s22 =	simm.s32 $0x3;
	s23 =	simm.s32 $0x40;
	s24 =	simm.s32 $0x80  }
0x7: {  	s25 =	simm.s32 $0x5;
	s26 =	simm.s32 $0x6;
	s28 =	simm.s32 $0x0  }
0x8: {  	s0 =	sand.u32 $0x1, s0;
	s4 =	sshll.u32 s3, $0x1;
	s3 =	simm.s32 $0x0  }
0x9: {  	s5 =	sadd.s32 $0xF43000, s1;
	s6 =	sadd.s32 $0xC00, s1;
	s4 =	sor.u32 s0, s4  }
0xa: {  	[smem:$0x7FF] =	sst s3;
	s0 =	ssub.s32 $0x2, s0;
	s4 =	smul.u32 $0x6400, s4  }
0xb: {  	s8 =	sadd.s32 $0x1400, s1;
	_ =	strace $0x80000047;
	s9 =	sshrl.u32 s0, $0x1  }
0xc: {  	[dreg:$0x3] =	wrdreg s6;
	s0 =	ssub.s32 s0, s9;
	s7 =	sshrl.u32 s4, $0x3  }
0xd: {  	s10 =	sadd.s32 $0x640, s4;
	s11 =	sadd.s32 $0x960, s4;
	s7 =	sadd.s32 s2, s7  }
0xe: {  	s12 =	sor.u32 $0x320, s4;
	s13 =	smax.u32 s0, $0x1;
	s9 =	sadd.s32 $0x64, s7  }
.LBB2_1:
0xf: {  	s0 =	rddreg [dreg:$0x3]  }
0x10: {  	[tilespmem:s3], [sflag:$0x7] =	stream.linear.gather [hbm4b:s0+s3], $0x3200, $0x38;
	[tilespmem:$0x1C840] =	vst v63  }
0x11: {  	_ =	swait.ge [sflag:s14], $0x3200  }
0x12: {  	[sflag:s14] =	ssyncset.done $0x0  }
0x13: {  	[sflag:s14] =	ssyncadd.s32 $0xFFFFCE00  }
0x14: {  	[tilespmem:s15], [sflag:$0x1] =	stream.linear.gather [hbm4b:s7+s3], $0x320, $0x38;
	[tilespmem:$0x1C840] =	vst v63  }
0x15: {  	_ =	swait.ge [sflag:s16], $0x320  }
0x16: {  	[sflag:s16] =	ssyncset.done $0x0  }
0x17: {  	[sflag:s16] =	ssyncadd.s32 $0xFFFFFCE0  }
0x18: {  	[tilespmem:s18], [sflag:$0x3] =	stream.indirect.gather [hbm4b:s5+s17], $0x40, s15, s17, $0xb8;
	[tilespmem:$0x1C840] =	vst v63  }
0x19: {  	s29 =	simm.s32 $0x0  }
0x1a: {  	[tilespmem:s19], [sflag:$0x2] =	stream.linear.gather [hbm4b:s9+s3], $0x320, $0x38;
	[tilespmem:$0x1C840] =	vst v63  }
.LBB2_2:
0x1b: {  	p0 =	seq.s32 s29, $0x0  }
0x1c: {  	s0 =	simm.s32 @!p0 $0x6  }
0x1d: {  	_ =	swait.ge @!p0 [sflag:s0], $0xC800  }
0x1e: {  	[sflag:s0] =	ssyncset.done @!p0 $0x0  }
0x1f: {  	[sflag:s0] =	ssyncadd.s32 @!p0 $0xFFFF3800  }
0x20: {  	_ =	swait.ge [sflag:s20], $0x320  }
0x21: {  	p0 =	seq.s32 s29, $0xF;
	[sflag:s20] =	ssyncset.done $0x0  }
0x22: {  	s0 =	smul.u32 @!p0 $0x640, s29;
	[sflag:s20] =	ssyncadd.s32 $0xFFFFFCE0  }
0x23: {  	[tilespmem:s21], [sflag:$0x4] =	stream.indirect.gather [hbm4b:s5+s17], $0x40, s19, s17, $0xb8;
	[tilespmem:$0x1C840] =	vst v63  }
0x24: {  	s31 =	simm.s32 $0x0;
	s0 =	sadd.s32 @!p0 s0, s10;
	_ =	swait.ge [sflag:s22], $0xC800  }
0x25: {  	s1 =	simm.s32 @!p0 $0x0;
	s0 =	sshrl.u32 @!p0 s0, $0x3;
	[sflag:s22] =	ssyncset.done $0x0  }
0x26: {  	s30 =	simm.s32 @!p0 $0x3200;
	s0 =	sadd.s32 @!p0 s2, s0;
	[sflag:s22] =	ssyncadd.s32 $0xFFFF3800  }
0x27: {  	[tilespmem:s30], [sflag:$0x1] =	stream.linear.gather @!p0 [hbm4b:s0+s1], $0x320, $0x38;
	[tilespmem:$0x1C840] =	vst v63  }
0x28: {  	v2 =	vld [tilespmem:s31+$0x6A60]  }
0x29: {  	v3 =	vld [tilespmem:s31+$0x6A50]  }
0x2a: {  	v4 =	vld [tilespmem:s31+$0x6A40]  }
0x2b: {  	v7 =	vld [tilespmem:s31+$0x3840]  }
0x2c: {  	v0 =	vld [tilespmem:s31+$0x20]  }
0x2d: {  	v1 =	vld [tilespmem:s31+$0x30]  }
0x2e: {  	v5 =	vld [tilespmem:s31+$0xCE80]  }
0x2f: {  	v6 =	vld [tilespmem:s31+$0x9CA0]  }
0x30: {  	v8 =	vld [tilespmem:s31+$0x9C80]  }
0x31: {  	v9 =	vld [tilespmem:s31+$0xCEB0]  }
0x32: {  	v10 =	vld [tilespmem:s31+$0xCE90]  }
0x33: {  	v16 =	vld [tilespmem:s31+$0xCE40]  }
0x34: {  	v11 =	vld [tilespmem:s31+$0x9CB0]  }
0x35: {  	v13 =	vld [tilespmem:s31+$0x6AB0]  }
0x36: {  	v14 =	vld [tilespmem:s31+$0x9C90]  }
0x37: {  	v17 =	vld [tilespmem:s31+$0xCE60]  }
0x38: {  	v18 =	vld [tilespmem:s31+$0xCE70]  }
0x39: {  	v12 =	vadd.f32 v2, v0;
	v2 =	vld [tilespmem:s31+$0x10]  }
0x3a: {  	v19 =	vld [tilespmem:s31+$0x40]  }
0x3b: {  	v20 =	vld [tilespmem:s31+$0x50]  }
0x3c: {  	v21 =	vld [tilespmem:s31+$0x60]  }
0x3d: {  	v22 =	vld [tilespmem:s31+$0x3880]  }
0x3e: {  	v23 =	vld [tilespmem:s31+$0x3890];
	v3 =	vadd.f32 v3, v2  }
0x3f: {  	v24 =	vld [tilespmem:s31+$0x6A80];
	v18 =	vadd.f32 v18, v1;
	[tilespmem:s31+$0x6A60] =	vst v12  }
0x40: {  	[tilespmem:s31+$0x6A50] =	vst v3;
	v3 =	vadd.f32 v17, v0;
	v17 =	vld [tilespmem:s31+$0x70]  }
0x41: {  	v14 =	vadd.f32 v14, v20;
	v12 =	vld [tilespmem:s31+$0x6AA0];
	[tilespmem:s31+$0xCE70] =	vst v18  }
0x42: {  	v25 =	vld [tilespmem:s31+$0x0];
	[tilespmem:s31+$0xCE60] =	vst v3;
	v3 =	vadd.f32 v8, v19  }
0x43: {  	v5 =	vadd.f32 v5, v19;
	[tilespmem:s31+$0x9C90] =	vst v14;
	v8 =	vld [tilespmem:s31+$0x38A0]  }
0x44: {  	v18 =	vld [tilespmem:s31+$0x38B0];
	[tilespmem:s31+$0x9C80] =	vst v3;
	v3 =	vadd.f32 v10, v20  }
0x45: {  	v27 =	vld [tilespmem:s31+$0x3850];
	[tilespmem:s31+$0xCE80] =	vst v5;
	v5 =	vadd.f32 v11, v17  }
0x46: {  	v28 =	vld [tilespmem:s31+$0x3860];
	[tilespmem:s31+$0xCE90] =	vst v3;
	v3 =	vadd.f32 v12, v21  }
0x47: {  	v63 =	vadd.f32 v23, v20;
	v10 =	vld [tilespmem:s31+$0x6A90];
	[tilespmem:s31+$0x9CB0] =	vst v5;
	v5 =	vadd.f32 v6, v21  }
0x48: {  	v15 =	vld [tilespmem:s31+$0xCEA0];
	v8 =	vadd.f32 v8, v21;
	[tilespmem:s31+$0x6AA0] =	vst v3;
	v3 =	vadd.f32 v13, v17  }
0x49: {  	v26 =	vld [tilespmem:s31+$0x9C40];
	v6 =	vadd.f32 v18, v17;
	[tilespmem:s31+$0x9CA0] =	vst v5;
	v5 =	vadd.f32 v22, v19  }
0x4a: {  	v12 =	vld [tilespmem:s31+$0x6A70];
	[tilespmem:s31+$0x6AB0] =	vst v3;
	v3 =	vadd.f32 v9, v17;
	v9 =	vadd.f32 v4, v25  }
0x4b: {  	[tilespmem:s31+$0x3890] =	vst v63;
	v13 =	vld [tilespmem:s31+$0x9C50];
	v4 =	vadd.f32 v24, v19;
	v17 =	vadd.f32 v27, v2  }
0x4c: {  	v11 =	vld [tilespmem:s31+$0x9C60];
	[tilespmem:s31+$0x3880] =	vst v5;
	v5 =	vadd.f32 v10, v20;
	v10 =	vadd.f32 v28, v0  }
0x4d: {  	v14 =	vld [tilespmem:s31+$0x3870];
	[tilespmem:s31+$0xCEB0] =	vst v3;
	v3 =	vadd.f32 v15, v21;
	v15 =	vadd.f32 v7, v25  }
0x4e: {  	s30 =	simm.s32 $0x0;
	s1 =	simm.s32 $0x200;
	[tilespmem:s31+$0x6A40] =	vst v9;
	v7 =	vadd.f32 v26, v25;
	v9 =	vadd.f32 v16, v25;
	v16 =	vld [tilespmem:s31+$0x9C70]  }
.LBB2_3:
0x4f: {  	s0 =	sshra.s32 s1, $0x2;
	s30 =	sadd.s32 $0x2, s30;
	[tilespmem:s31+$0x3850] =	vst v17;
	v12 =	vadd.f32 v12, v1;
	v17 =	vld [tilespmem:s31+$0xCE50]  }
0x50: {  	v18 =	vld [tilespmem:s0+$0x6A60];
	p0 =	slt.u32 s30, $0xC6;
	[tilespmem:s31+$0x3840] =	vst v15;
	v13 =	vadd.f32 v13, v2  }
0x51: {  	v15 =	vld [tilespmem:s0+$0x6A50];
	[tilespmem:s31+$0x6A70] =	vst v12;
	v11 =	vadd.f32 v11, v0  }
0x52: {  	v19 =	vld [tilespmem:s0+$0x6A40];
	v12 =	vadd.f32 v14, v1;
	[tilespmem:s31+$0x9C50] =	vst v13  }
0x53: {  	v13 =	vld [tilespmem:s0+$0x3840];
	v14 =	vadd.f32 v16, v1;
	[tilespmem:s31+$0x38A0] =	vst v8  }
0x54: {  	v0 =	vld [tilespmem:s0+$0x20];
	[tilespmem:s31+$0x3870] =	vst v12;
	v2 =	vadd.f32 v17, v2  }
0x55: {  	v1 =	vld [tilespmem:s0+$0x30];
	[tilespmem:s31+$0x9C70] =	vst v14  }
0x56: {  	v8 =	vld [tilespmem:s0+$0xCE80];
	[tilespmem:s31+$0xCE50] =	vst v2  }
0x57: {  	v12 =	vld [tilespmem:s0+$0x9CA0];
	[tilespmem:s31+$0x9C60] =	vst v11  }
0x58: {  	v11 =	vld [tilespmem:s0+$0x9C80];
	[tilespmem:s31+$0xCEA0] =	vst v3  }
0x59: {  	v3 =	vadd.f32 v18, v0;
	v14 =	vld [tilespmem:s0+$0xCEB0];
	[tilespmem:s31+$0x3860] =	vst v10  }
0x5a: {  	v10 =	vld [tilespmem:s0+$0xCE90];
	[tilespmem:s31+$0xCE40] =	vst v9  }
0x5b: {  	v9 =	vld [tilespmem:s0+$0xCE40];
	[tilespmem:s31+$0x38B0] =	vst v6  }
0x5c: {  	v6 =	vld [tilespmem:s0+$0x9CB0];
	[tilespmem:s31+$0x9C40] =	vst v7  }
0x5d: {  	v7 =	vld [tilespmem:s0+$0x6AB0];
	[tilespmem:s31+$0x6A80] =	vst v4  }
0x5e: {  	v2 =	vld [tilespmem:s0+$0x10];
	[tilespmem:s31+$0x6A90] =	vst v5;
	s31 =	smov.u32 s0  }
0x5f: {  	[tilespmem:s31+$0x6A60] =	vst v3;
	v3 =	vld [tilespmem:s31+$0x6AA0]  }
0x60: {  	v4 =	vld [tilespmem:s31+$0x9C90]  }
0x61: {  	v5 =	vld [tilespmem:s31+$0xCEA0]  }
0x62: {  	v16 =	vld [tilespmem:s31+$0xCE60]  }
0x63: {  	v15 =	vadd.f32 v15, v2;
	v17 =	vld [tilespmem:s31+$0xCE70]  }
0x64: {  	v18 =	vld [tilespmem:s31+$0x40]  }
0x65: {  	[tilespmem:s31+$0x6A50] =	vst v15;
	v15 =	vld [tilespmem:s31+$0x50]  }
0x66: {  	v20 =	vld [tilespmem:s31+$0x60]  }
0x67: {  	v16 =	vadd.f32 v16, v0;
	v21 =	vld [tilespmem:s31+$0x70]  }
0x68: {  	v17 =	vadd.f32 v17, v1;
	v22 =	vld [tilespmem:s31+$0x3880]  }
0x69: {  	[tilespmem:s31+$0xCE60] =	vst v16;
	v16 =	vld [tilespmem:s31+$0x3890];
	v11 =	vadd.f32 v11, v18;
	v8 =	vadd.f32 v8, v18  }
0x6a: {  	[tilespmem:s31+$0xCE70] =	vst v17;
	v17 =	vld [tilespmem:s31+$0x38A0];
	v4 =	vadd.f32 v4, v15;
	v10 =	vadd.f32 v10, v15  }
0x6b: {  	v23 =	vld [tilespmem:s31+$0x38B0];
	v24 =	vadd.f32 v3, v20;
	[tilespmem:s31+$0x9C80] =	vst v11;
	v3 =	vadd.f32 v5, v20  }
0x6c: {  	v5 =	vld [tilespmem:s31+$0x6A80];
	v7 =	vadd.f32 v7, v21;
	[tilespmem:s31+$0x9C90] =	vst v4;
	v4 =	vadd.f32 v6, v21  }
0x6d: {  	v22 =	vadd.f32 v22, v18;
	v11 =	vld [tilespmem:s31+$0x6A90];
	[tilespmem:s31+$0xCE90] =	vst v10;
	v10 =	vadd.f32 v14, v21  }
0x6e: {  	v14 =	vld [tilespmem:s31+$0x0];
	v25 =	vadd.f32 v16, v15;
	v16 =	vadd.f32 v12, v20;
	[tilespmem:s31+$0xCE80] =	vst v8  }
0x6f: {  	v26 =	vld [tilespmem:s31+$0x9C40];
	v8 =	vadd.f32 v17, v20;
	[tilespmem:s31+$0x6AA0] =	vst v24  }
0x70: {  	v17 =	vld [tilespmem:s31+$0x3850];
	v6 =	vadd.f32 v23, v21;
	[tilespmem:s31+$0x9CB0] =	vst v4  }
0x71: {  	v20 =	vld [tilespmem:s31+$0x3860];
	v4 =	vadd.f32 v5, v18;
	[tilespmem:s31+$0x6AB0] =	vst v7  }
.Ltmp0:
0x72: {  	v12 =	vld [tilespmem:s31+$0x6A70];
	v5 =	vadd.f32 v11, v15;
	[tilespmem:s31+$0x9CA0] =	vst v16;
	(pc) =	sbr.rel @p0 .LBB2_3-.Ltmp0, $4  }
0x73: {  	v15 =	vadd.f32 v13, v14;
	v16 =	vadd.f32 v19, v14;
	v13 =	vld [tilespmem:s31+$0x9C50];
	[tilespmem:s31+$0xCEB0] =	vst v10  }
0x74: {  	v9 =	vadd.f32 v9, v14;
	v7 =	vadd.f32 v26, v14;
	v11 =	vld [tilespmem:s31+$0x9C60];
	[tilespmem:s31+$0x3880] =	vst v22  }
0x75: {  	v17 =	vadd.f32 v17, v2;
	v14 =	vld [tilespmem:s31+$0x3870];
	[tilespmem:s31+$0x6A40] =	vst v16  }
0x76: {  	s1 =	sadd.s32 $0x200, s1;
	v10 =	vadd.f32 v20, v0;
	v16 =	vld [tilespmem:s31+$0x9C70];
	[tilespmem:s31+$0x3890] =	vst v25  }
0x77: {  	[tilespmem:s31+$0x3850] =	vst v17  }
0x78: {  	[tilespmem:s31+$0x3840] =	vst v15  }
0x79: {  	[tilespmem:s31+$0x38A0] =	vst v8  }
0x7a: {  	[tilespmem:s31+$0xCEA0] =	vst v3  }
0x7b: {  	[tilespmem:s31+$0xCE40] =	vst v9  }
0x7c: {  	[tilespmem:s31+$0x38B0] =	vst v6  }
0x7d: {  	[tilespmem:s31+$0x9C40] =	vst v7  }
0x7e: {  	[tilespmem:s31+$0x6A80] =	vst v4  }
0x7f: {  	v12 =	vadd.f32 v12, v1;
	v17 =	vld [tilespmem:s31+$0xCE50];
	[tilespmem:s31+$0x6A90] =	vst v5  }
0x80: {  	v13 =	vadd.f32 v13, v2;
	[tilespmem:s31+$0x3860] =	vst v10  }
0x81: {  	[tilespmem:s31+$0x6A70] =	vst v12;
	v0 =	vadd.f32 v11, v0  }
0x82: {  	s30 =	smul.u32 $0x640, s29;
	v12 =	vadd.f32 v14, v1;
	[tilespmem:s31+$0x9C50] =	vst v13  }
0x83: {  	v1 =	vadd.f32 v16, v1;
	[tilespmem:s31+$0x9C60] =	vst v0  }
0x84: {  	s0 =	sadd.s32 s4, s30;
	[tilespmem:s31+$0x3870] =	vst v12;
	v2 =	vadd.f32 v17, v2  }
0x85: {  	s0 =	sshll.u32 s0, $0x4;
	[tilespmem:s31+$0x9C70] =	vst v1  }
0x86: {  	p0 =	sne.s32 s29, $0xF;
	s0 =	sadd.s32 s8, s0;
	[tilespmem:s31+$0xCE50] =	vst v2  }
0x87: {  	[hbm4b:s0+s23] =	stream.strided.scatter [tilespmem:s18], [sflag:$0x5], $0xC800, s24, s23, $0x38;
	[tilespmem:$0x1C840] =	vst v63  }
0x88: {  	s0 =	simm.s32 @p0 $0x5  }
0x89: {  	_ =	swait.ge @p0 [sflag:s0], $0xC800  }
0x8a: {  	[sflag:s0] =	ssyncset.done @p0 $0x0  }
0x8b: {  	[sflag:s0] =	ssyncadd.s32 @p0 $0xFFFF3800;
	s0 =	simm.s32 @p0 $0x1  }
0x8c: {  	_ =	swait.ge @p0 [sflag:s0], $0x320  }
0x8d: {  	s1 =	simm.s32 @p0 $0x3200;
	[sflag:s0] =	ssyncset.done @p0 $0x0  }
0x8e: {  	s31 =	simm.s32 @p0 $0x3840;
	[sflag:s0] =	ssyncadd.s32 @p0 $0xFFFFFCE0;
	s0 =	simm.s32 @p0 $0x320  }
0x8f: {  	[tilespmem:s31], [sflag:$0x3] =	stream.indirect.gather @p0 [hbm4b:s5+s0], $0x40, s1, s0, $0xb8;
	[tilespmem:$0x1C840] =	vst v63  }
0x90: {  	s0 =	simm.s32 @p0 $0x4  }
0x91: {  	_ =	swait.ge @p0 [sflag:s0], $0xC800  }
0x92: {  	s1 =	sadd.s32 @p0 s30, s11;
	[sflag:s0] =	ssyncset.done @p0 $0x0  }
0x93: {  	[sflag:s0] =	ssyncadd.s32 @p0 $0xFFFF3800;
	s0 =	sshrl.u32 @p0 s1, $0x3  }
0x94: {  	s31 =	simm.s32 @p0 $0x3520;
	s1 =	simm.s32 @p0 $0x0;
	s0 =	sadd.s32 @p0 s2, s0  }
0x95: {  	[tilespmem:s31], [sflag:$0x2] =	stream.linear.gather @p0 [hbm4b:s0+s1], $0x320, $0x38;
	[tilespmem:$0x1C840] =	vst v63  }
0x96: {  	s0 =	simm.s32 @!p0 $0x4  }
0x97: {  	_ =	swait.ge @!p0 [sflag:s0], $0xC800  }
0x98: {  	[sflag:s0] =	ssyncset.done @!p0 $0x0  }
0x99: {  	s31 =	simm.s32 $0x0;
	[sflag:s0] =	ssyncadd.s32 @!p0 $0xFFFF3800  }
0x9a: {  	v2 =	vld [tilespmem:s31+$0x13260]  }
0x9b: {  	v3 =	vld [tilespmem:s31+$0x13250]  }
0x9c: {  	v4 =	vld [tilespmem:s31+$0x13240]  }
0x9d: {  	v7 =	vld [tilespmem:s31+$0x10040]  }
0x9e: {  	v0 =	vld [tilespmem:s31+$0x20]  }
0x9f: {  	v1 =	vld [tilespmem:s31+$0x30]  }
0xa0: {  	v5 =	vld [tilespmem:s31+$0x19680]  }
0xa1: {  	v6 =	vld [tilespmem:s31+$0x164A0]  }
0xa2: {  	v8 =	vld [tilespmem:s31+$0x16480]  }
0xa3: {  	v9 =	vld [tilespmem:s31+$0x196B0]  }
0xa4: {  	v10 =	vld [tilespmem:s31+$0x19690]  }
0xa5: {  	v16 =	vld [tilespmem:s31+$0x19640]  }
0xa6: {  	v11 =	vld [tilespmem:s31+$0x164B0]  }
0xa7: {  	v13 =	vld [tilespmem:s31+$0x132B0]  }
0xa8: {  	v14 =	vld [tilespmem:s31+$0x16490]  }
0xa9: {  	v17 =	vld [tilespmem:s31+$0x19660]  }
0xaa: {  	v18 =	vld [tilespmem:s31+$0x19670]  }
0xab: {  	v12 =	vadd.f32 v2, v0;
	v2 =	vld [tilespmem:s31+$0x10]  }
0xac: {  	v19 =	vld [tilespmem:s31+$0x40]  }
0xad: {  	v20 =	vld [tilespmem:s31+$0x50]  }
0xae: {  	v21 =	vld [tilespmem:s31+$0x60]  }
0xaf: {  	v22 =	vld [tilespmem:s31+$0x10080]  }
0xb0: {  	v23 =	vld [tilespmem:s31+$0x10090];
	v3 =	vadd.f32 v3, v2  }
0xb1: {  	v24 =	vld [tilespmem:s31+$0x13280];
	v18 =	vadd.f32 v18, v1;
	[tilespmem:s31+$0x13260] =	vst v12  }
0xb2: {  	[tilespmem:s31+$0x13250] =	vst v3;
	v3 =	vadd.f32 v17, v0;
	v17 =	vld [tilespmem:s31+$0x70]  }
0xb3: {  	v14 =	vadd.f32 v14, v20;
	v12 =	vld [tilespmem:s31+$0x132A0];
	[tilespmem:s31+$0x19670] =	vst v18  }
0xb4: {  	v25 =	vld [tilespmem:s31+$0x0];
	[tilespmem:s31+$0x19660] =	vst v3;
	v3 =	vadd.f32 v8, v19  }
0xb5: {  	v5 =	vadd.f32 v5, v19;
	[tilespmem:s31+$0x16490] =	vst v14;
	v8 =	vld [tilespmem:s31+$0x100A0]  }
0xb6: {  	v18 =	vld [tilespmem:s31+$0x100B0];
	[tilespmem:s31+$0x16480] =	vst v3;
	v3 =	vadd.f32 v10, v20  }
0xb7: {  	v27 =	vld [tilespmem:s31+$0x10050];
	[tilespmem:s31+$0x19680] =	vst v5;
	v5 =	vadd.f32 v11, v17  }
0xb8: {  	v28 =	vld [tilespmem:s31+$0x10060];
	[tilespmem:s31+$0x19690] =	vst v3;
	v3 =	vadd.f32 v12, v21  }
0xb9: {  	v63 =	vadd.f32 v23, v20;
	v10 =	vld [tilespmem:s31+$0x13290];
	[tilespmem:s31+$0x164B0] =	vst v5;
	v5 =	vadd.f32 v6, v21  }
0xba: {  	v15 =	vld [tilespmem:s31+$0x196A0];
	v8 =	vadd.f32 v8, v21;
	[tilespmem:s31+$0x132A0] =	vst v3;
	v3 =	vadd.f32 v13, v17  }
0xbb: {  	v26 =	vld [tilespmem:s31+$0x16440];
	v6 =	vadd.f32 v18, v17;
	[tilespmem:s31+$0x164A0] =	vst v5;
	v5 =	vadd.f32 v22, v19  }
0xbc: {  	v12 =	vld [tilespmem:s31+$0x13270];
	[tilespmem:s31+$0x132B0] =	vst v3;
	v3 =	vadd.f32 v9, v17;
	v9 =	vadd.f32 v4, v25  }
0xbd: {  	[tilespmem:s31+$0x10090] =	vst v63;
	v13 =	vld [tilespmem:s31+$0x16450];
	v4 =	vadd.f32 v24, v19;
	v17 =	vadd.f32 v27, v2  }
0xbe: {  	v11 =	vld [tilespmem:s31+$0x16460];
	[tilespmem:s31+$0x10080] =	vst v5;
	v5 =	vadd.f32 v10, v20;
	v10 =	vadd.f32 v28, v0  }
0xbf: {  	v14 =	vld [tilespmem:s31+$0x10070];
	[tilespmem:s31+$0x196B0] =	vst v3;
	v3 =	vadd.f32 v15, v21;
	v15 =	vadd.f32 v7, v25  }
0xc0: {  	s1 =	simm.s32 $0x0;
	s0 =	simm.s32 $0x200;
	[tilespmem:s31+$0x13240] =	vst v9;
	v7 =	vadd.f32 v26, v25;
	v9 =	vadd.f32 v16, v25;
	v16 =	vld [tilespmem:s31+$0x16470]  }
.LBB2_5:
0xc1: {  	s6 =	sshra.s32 s0, $0x2;
	s1 =	sadd.s32 $0x2, s1;
	[tilespmem:s31+$0x10050] =	vst v17;
	v12 =	vadd.f32 v12, v1;
	v17 =	vld [tilespmem:s31+$0x19650]  }
0xc2: {  	v18 =	vld [tilespmem:s6+$0x13260];
	p0 =	slt.u32 s1, $0xC6;
	[tilespmem:s31+$0x10040] =	vst v15;
	v13 =	vadd.f32 v13, v2  }
0xc3: {  	v15 =	vld [tilespmem:s6+$0x13250];
	[tilespmem:s31+$0x13270] =	vst v12;
	v11 =	vadd.f32 v11, v0  }
0xc4: {  	v19 =	vld [tilespmem:s6+$0x13240];
	v12 =	vadd.f32 v14, v1;
	[tilespmem:s31+$0x16450] =	vst v13  }
0xc5: {  	v13 =	vld [tilespmem:s6+$0x10040];
	v14 =	vadd.f32 v16, v1;
	[tilespmem:s31+$0x100A0] =	vst v8  }
0xc6: {  	v0 =	vld [tilespmem:s6+$0x20];
	[tilespmem:s31+$0x10070] =	vst v12;
	v2 =	vadd.f32 v17, v2  }
0xc7: {  	v1 =	vld [tilespmem:s6+$0x30];
	[tilespmem:s31+$0x16470] =	vst v14  }
0xc8: {  	v8 =	vld [tilespmem:s6+$0x19680];
	[tilespmem:s31+$0x19650] =	vst v2  }
0xc9: {  	v12 =	vld [tilespmem:s6+$0x164A0];
	[tilespmem:s31+$0x16460] =	vst v11  }
0xca: {  	v11 =	vld [tilespmem:s6+$0x16480];
	[tilespmem:s31+$0x196A0] =	vst v3  }
0xcb: {  	v3 =	vadd.f32 v18, v0;
	v14 =	vld [tilespmem:s6+$0x196B0];
	[tilespmem:s31+$0x10060] =	vst v10  }
0xcc: {  	v10 =	vld [tilespmem:s6+$0x19690];
	[tilespmem:s31+$0x19640] =	vst v9  }
0xcd: {  	v9 =	vld [tilespmem:s6+$0x19640];
	[tilespmem:s31+$0x100B0] =	vst v6  }
0xce: {  	v6 =	vld [tilespmem:s6+$0x164B0];
	[tilespmem:s31+$0x16440] =	vst v7  }
0xcf: {  	v7 =	vld [tilespmem:s6+$0x132B0];
	[tilespmem:s31+$0x13280] =	vst v4  }
0xd0: {  	v2 =	vld [tilespmem:s6+$0x10];
	[tilespmem:s31+$0x13290] =	vst v5;
	s31 =	smov.u32 s6  }
0xd1: {  	[tilespmem:s31+$0x13260] =	vst v3;
	v3 =	vld [tilespmem:s31+$0x132A0]  }
0xd2: {  	v4 =	vld [tilespmem:s31+$0x16490]  }
0xd3: {  	v5 =	vld [tilespmem:s31+$0x196A0]  }
0xd4: {  	v16 =	vld [tilespmem:s31+$0x19660]  }
0xd5: {  	v15 =	vadd.f32 v15, v2;
	v17 =	vld [tilespmem:s31+$0x19670]  }
0xd6: {  	v18 =	vld [tilespmem:s31+$0x40]  }
0xd7: {  	[tilespmem:s31+$0x13250] =	vst v15;
	v15 =	vld [tilespmem:s31+$0x50]  }
0xd8: {  	v20 =	vld [tilespmem:s31+$0x60]  }
0xd9: {  	v16 =	vadd.f32 v16, v0;
	v21 =	vld [tilespmem:s31+$0x70]  }
0xda: {  	v17 =	vadd.f32 v17, v1;
	v22 =	vld [tilespmem:s31+$0x10080]  }
0xdb: {  	[tilespmem:s31+$0x19660] =	vst v16;
	v16 =	vld [tilespmem:s31+$0x10090];
	v11 =	vadd.f32 v11, v18;
	v8 =	vadd.f32 v8, v18  }
0xdc: {  	[tilespmem:s31+$0x19670] =	vst v17;
	v17 =	vld [tilespmem:s31+$0x100A0];
	v4 =	vadd.f32 v4, v15;
	v10 =	vadd.f32 v10, v15  }
0xdd: {  	v23 =	vld [tilespmem:s31+$0x100B0];
	v24 =	vadd.f32 v3, v20;
	[tilespmem:s31+$0x16480] =	vst v11;
	v3 =	vadd.f32 v5, v20  }
0xde: {  	v5 =	vld [tilespmem:s31+$0x13280];
	v7 =	vadd.f32 v7, v21;
	[tilespmem:s31+$0x16490] =	vst v4;
	v4 =	vadd.f32 v6, v21  }
0xdf: {  	v22 =	vadd.f32 v22, v18;
	v11 =	vld [tilespmem:s31+$0x13290];
	[tilespmem:s31+$0x19690] =	vst v10;
	v10 =	vadd.f32 v14, v21  }
0xe0: {  	v14 =	vld [tilespmem:s31+$0x0];
	v25 =	vadd.f32 v16, v15;
	v16 =	vadd.f32 v12, v20;
	[tilespmem:s31+$0x19680] =	vst v8  }
0xe1: {  	v26 =	vld [tilespmem:s31+$0x16440];
	v8 =	vadd.f32 v17, v20;
	[tilespmem:s31+$0x132A0] =	vst v24  }
0xe2: {  	v17 =	vld [tilespmem:s31+$0x10050];
	v6 =	vadd.f32 v23, v21;
	[tilespmem:s31+$0x164B0] =	vst v4  }
0xe3: {  	v20 =	vld [tilespmem:s31+$0x10060];
	v4 =	vadd.f32 v5, v18;
	[tilespmem:s31+$0x132B0] =	vst v7  }
.Ltmp1:
0xe4: {  	v12 =	vld [tilespmem:s31+$0x13270];
	v5 =	vadd.f32 v11, v15;
	[tilespmem:s31+$0x164A0] =	vst v16;
	(pc) =	sbr.rel @p0 .LBB2_5-.Ltmp1, $4  }
0xe5: {  	v15 =	vadd.f32 v13, v14;
	v16 =	vadd.f32 v19, v14;
	v13 =	vld [tilespmem:s31+$0x16450];
	[tilespmem:s31+$0x196B0] =	vst v10  }
0xe6: {  	v9 =	vadd.f32 v9, v14;
	v7 =	vadd.f32 v26, v14;
	v11 =	vld [tilespmem:s31+$0x16460];
	[tilespmem:s31+$0x10080] =	vst v22  }
0xe7: {  	v17 =	vadd.f32 v17, v2;
	v14 =	vld [tilespmem:s31+$0x10070];
	[tilespmem:s31+$0x13240] =	vst v16  }
0xe8: {  	s0 =	sadd.s32 $0x200, s0;
	v10 =	vadd.f32 v20, v0;
	v16 =	vld [tilespmem:s31+$0x16470];
	[tilespmem:s31+$0x10090] =	vst v25  }
0xe9: {  	[tilespmem:s31+$0x10050] =	vst v17  }
0xea: {  	[tilespmem:s31+$0x10040] =	vst v15  }
0xeb: {  	[tilespmem:s31+$0x100A0] =	vst v8  }
0xec: {  	[tilespmem:s31+$0x196A0] =	vst v3  }
0xed: {  	[tilespmem:s31+$0x19640] =	vst v9  }
0xee: {  	[tilespmem:s31+$0x100B0] =	vst v6  }
0xef: {  	[tilespmem:s31+$0x16440] =	vst v7  }
0xf0: {  	[tilespmem:s31+$0x13280] =	vst v4  }
0xf1: {  	v12 =	vadd.f32 v12, v1;
	v60 =	vld [tilespmem:s31+$0x19650];
	[tilespmem:s31+$0x13290] =	vst v5  }
0xf2: {  	v13 =	vadd.f32 v13, v2;
	[tilespmem:s31+$0x10060] =	vst v10  }
0xf3: {  	s29 =	sadd.s32 $0x1, s29;
	[tilespmem:s31+$0x13270] =	vst v12;
	v0 =	vadd.f32 v11, v0  }
0xf4: {  	p0 =	sne.s32 s29, $0x10;
	v61 =	vadd.f32 v14, v1;
	[tilespmem:s31+$0x16450] =	vst v13  }
.Ltmp2:
0xf5: {  	s0 =	sadd.s32 s30, s12;
	v62 =	vadd.f32 v16, v1;
	[tilespmem:s31+$0x16460] =	vst v0;
	(pc) =	sbr.rel @p0 .LBB2_2-.Ltmp2, $4  }
0xf6: {  	s0 =	sshll.u32 s0, $0x4;
	[tilespmem:s31+$0x10070] =	vst v61;
	v63 =	vadd.f32 v60, v2  }
0xf7: {  	s0 =	sand.u32 $0x1FFFFE00, s0;
	[tilespmem:s31+$0x16470] =	vst v62  }
0xf8: {  	s0 =	sadd.s32 s8, s0;
	[tilespmem:s31+$0x19650] =	vst v63  }
0xf9: {  	[hbm4b:s0+s23] =	stream.strided.scatter [tilespmem:s21], [sflag:$0x6], $0xC800, s24, s23, $0x38;
	[tilespmem:$0x1C840] =	vst v63  }
0xfa: {  	s28 =	sadd.s32 $0x1, s28  }
0xfb: {  	_ =	swait.ge [sflag:s25], $0xC800;
	p0 =	sne.s32 s28, s13  }
.Ltmp3:
0xfc: {  	[sflag:s25] =	ssyncset.done $0x0;
	(pc) =	sbr.rel @p0 .LBB2_1-.Ltmp3, $4  }
0xfd: {  	[sflag:s25] =	ssyncadd.s32 $0xFFFF3800  }
0xfe: {  	_ =	swait.ge [sflag:s26], $0xC800  }
0xff: {  	[sflag:s26] =	ssyncset.done $0x0  }
0x100: {  	[sflag:s26] =	ssyncadd.s32 $0xFFFF3800  }
0x101: {  	_ =	sfence.sel $0x180000  }
0x102: {  	[bflag:$0x0] =	sbarrier.arrive $0xFFFF  }
0x103: {  	_ =	strace $0x90000047  }
0x104: {  	s0 =	stileid.u32;
	[bflag:$0x2] =	sbarrier.arrive $0xFFFF  }
0x105: {  	p0 =	sne.s32 s0, $0x0;
	s0 =	rddreg [dreg:$0x2]  }
0x106: {  	s0 =	sadd.s32 @!p0 $0x100000, s0  }
0x107: {  	[sflag:s0] =	ssyncadd.tile.s32 @!p0 $0x1;
	_ =	shalt  }
.Lfunc_end2:
_tile_overlayer_lowered:
.L_overlay_start_2:
0x108: {  	(tag) =	ssettag $0x2  }
0x109: {  	s0 =	rddreg [dreg:$0x0];
	s2 =	stileid.u32  }
0x10a: {  	s1 =	rddreg [dreg:$0x1];
	p0 =	sne.s32 s2, $0x0  }
0x10b: {  	s3 =	rddreg [dreg:$0x2];
	[bflag:$0x3] =	sbarrier.arrive $0xFFFF;
	s2 =	simm.s32 @!p0 $0x1C07  }
0x10c: {  	[timem:s3], [sflag:s2] =	dma.local @!p0 [hbm:s0], s1  }
0x10d: {  	s0 =	simm.s32 @!p0 $0x7  }
0x10e: {  	_ =	swait.ge @!p0 [sflag:s0], s1  }
0x10f: {  	s1 =	ssub.s32 @!p0 $0x0, s1;
	[sflag:s0] =	ssyncset.done @!p0 $0x0  }
0x110: {  	[sflag:s0] =	ssyncadd.s32 @!p0 s1  }
0x111: {  	[bflag:$0x3] =	sbarrier.arrive $0xFFFF  }
0x112: {  	_ =	shalt  }

// kernel: sparse-core-data-format-call.cloned.1.call-start
scs
called_computation_lowered:
.L_overlay_start_0:
0x0: {  	s2 =	sld [smem:$0x3FD9]  }
0x1: {  	s3 =	sld [smem:$0x3FFE];
	_ =	sdelay $0x1  }
0x2: {  	s1 =	srdreg.scid  }
0x3: {  	s0 =	sand.u32 $0x1, s1  }
0x4: {  	s18 =	sshll.u32 s0, $0xA;
	s2 =	sadd.s32 s3, s2  }
0x5: {  	s2 =	sadd.s32 s2, s18  }
0x6: {  	[smem:$0x3FC5] =	sst s2  }
0x7: {  	_ = 	snop  }
0x8: {  	s2 =	sld [smem:$0x3FD0];
	(tm) =	ssettm $0x1  }
0x9: {  	s19 =	sld [smem:$0x3FFB];
	_ =	sdelay $0x3  }
0xa: {  	_ =	strace s19  }
0xb: {  	s3 =	sld [smem:$0x3FFC];
	_ =	sdelay $0x3  }
0xc: {  	_ =	strace s3  }
0xd: {  	s3 =	sld [smem:$0x3FFD];
	_ =	sdelay $0x3  }
0xe: {  	_ =	strace s3  }
0xf: {  	_ =	strace $0x8FFFFFFF  }
0x10: {  	s20 =	sld [smem:$0x3FDB];
	_ =	sdelay $0x1  }
0x11: {  	s4 =	simm.s32 $_scs_section_size  }
0x12: {  	s5 =	simm.s32 $_size__tile_overlayer_lowered;
	s6 =	simm.s32 $_tile_overlayer_lowered  }
0x13: {  	s23 =	simm.s32 $0x1BFF;
	s22 =	sshll.u32 s6, $0x1;
	s3 =	sadd.s32 s4, s20  }
0x14: {  	s7 =	simm.s32 $0x0;
	s21 =	sshll.u32 s5, $0x1;
	s5 =	sadd.s32 s22, s3  }
0x15: {  	[timem:s7], [sflag:s23] =	dma.local [hbm:s5], s21  }
0x16: {  	_ =	swait.ge [sflag:s23], s21  }
0x17: {  	s4 =	ssub.s32 $0x0, s21;
	[sflag:s23] =	ssyncset.done $0x0  }
0x18: {  	[sflag:s23] =	ssyncadd.s32 s4;
	_ =	sdelay $0x1  }
0x19: {  	s24 =	simm.s32 $0x1B8B  }
0x1a: {  	_ =	swait.ge [sflag:s24], $0x1  }
0x1b: {  	[sflag:s24] =	ssyncset.done $0x0  }
0x1c: {  	s26 =	simm.s32 $0x1B8E;
	s25 =	sld [smem:$0x3FFE];
	[sflag:s24] =	ssyncadd.s32 $0xFFFFFFFF  }
0x1d: {  	s27 =	simm.s32 $execute0_lowered;
	[smem:$0x3FD2] =	sst s26  }
0x1e: {  	s5 =	sshll.u32 s27, $0x1;
	_ =	strace $0x80000049;
	[dreg:$0x1] =	wrdreg $0xFFFFFFFF  }
0x1f: {  	s28 =	simm.s32 $_size_execute0_lowered;
	s3 =	sadd.s32 s3, s5;
	[dreg:$0x0] =	wrdreg $0x0  }
0x20: {  	s5 =	sshll.u32 s28, $0x1;
	[dreg:$0x2] =	wrdreg s3  }
0x21: {  	[dreg:$0x3] =	wrdreg s5  }
0x22: {  	[dreg:$0x4] =	wrdreg $0xC0  }
0x23: {  	_ =	task [dreg:s7], $0x5FFFF  }
0x24: {  	[dreg:$0x1] =	wrdreg $0xFFFFFFFF  }
0x25: {  	[dreg:$0x0] =	wrdreg $0x60  }
0x26: {  	[dreg:$0x2] =	wrdreg s25  }
0x27: {  	[dreg:$0x3] =	wrdreg s2  }
0x28: {  	[dreg:$0x4] =	wrdreg $0x9  }
0x29: {  	_ =	task.clear_ibuf [dreg:s7], $0x5FFFF;
	_ =	strace $0x90000049  }
0x2a: {  	s29 =	simm.s32 $0x9;
	_ =	strace $0x8000004B  }
0x2b: {  	_ =	swait.ge [sflag:s29], $0x1  }
0x2c: {  	[sflag:s29] =	ssyncadd.s32 $0xFFFFFFFF  }
0x2d: {  	_ =	strace $0x9000004B  }
0x2e: {  	_ =	sfence  }
0x2f: {  	s30 =	sld [smem:$0x0];
	_ =	sdelay $0x2  }
0x30: {  	s31 =	sshll.u32 s1, $0xD;
	s1 =	sshrl.u32 s1, $0x2  }
0x31: {  	s3 =	sand.u32 $0x4000, s31;
	s1 =	sadd.s32 s1, s30  }
0x32: {  	s0 =	sor.u32 s3, s0;
	s1 =	sshll.u32 s1, $0x11  }
0x33: {  	s0 =	sor.u32 s1, s0  }
0x34: {  	s0 =	sadd.s32 $0x8F2B, s0  }
0x35: {  	[sflag:s0] =	ssyncadd.remote.s32 $0x1  }
0x36: {  	_ =	sfence.sel $0xFFFF  }
0x37: {  	[dreg:$0x0] =	wrdreg $0xFFFFFFFF;
	(pc) =	sbr.abs _section_cstart, $3  }
0x38: {  	[dreg:$0x1] =	wrdreg $0xFFFFFFFF  }
0x39: {  	_ =	task.clear_ibuf [dreg:s7], $0x2FFFF;
	_ =	strace $0x9FFFFFFF  }
0x3a: {  	(tm) =	ssettm $0x7FFFFFFF  }
0x3b: {  	_ =	shalt  }
tec
execute0_lowered:
.L_overlay_start_1:
0x0: {  	(tag) =	ssettag $0x1  }
0x1: {  	s0 =	srdreg.scid  }
0x2: {  	s1 =	sshll.u32 s0, $0x4  }
0x3: {  	s0 =	stileid.u32;
	s1 =	sand.u32 $0x10, s1  }
0x4: {  	s1 =	sor.u32 s0, s1  }
0x5: {  	s6 =	rddreg [dreg:$0x0];
	s4 =	simm.s32 $0x1;
	s2 =	sshll.u32 s1, $0x7  }
0x6: {  	s7 =	simm.s32 $0x2;
	s12 =	simm.s32 $0x0;
	s1 =	ssub.s32 $0x1000, s2  }
0x7: {  	s8 =	simm.s32 $0x8000;
	s13 =	simm.s32 $0x0;
	s3 =	sand.u32 $0xF80, s1  }
0x8: {  	s9 =	simm.s32 $0x0;
	s5 =	sshrl.u32 s1, $0xC;
	p0 =	sne.s32 s3, $0x0  }
.Ltmp0:
0x9: {  	s1 =	rddreg [dreg:$0x2];
	s4 =	simm.s32 @!p0 $0x0;
	(pc) =	sbr.rel .LBB1_1-.Ltmp0, $4  }
0xa: {  	s11 =	simm.s32 $0x0;
	s3 =	rddreg [dreg:$0x1];
	s5 =	sadd.s32 s4, s5  }
0xb: {  	_ =	strace $0x8000004A;
	s4 =	simm.s32 $0x1;
	s5 =	smul.u32 $0xC8, s5  }
0xc: {  	s6 =	sadd.s32 $0x1400, s6;
	s10 =	smov.u32 s2;
	[sflag:s4] =	ssyncpa.u1 $0x0  }
0xd: {  	p0 =	por $0x0, $0x0;
	[sflag:s7] =	ssyncpa.u1 $0x0;
	s7 =	sor.u32 $0x1, s5  }
.LBB1_4:
0xe: {  	s16 =	sshll.u32 s13, $0x3;
	s17 =	sand.u32 $0x78, s13  }
0xf: {  	s30 =	sand.u32 $0x7E00, s13;
	s12 =	sshll.u32 s12, $0xF;
	s16 =	sand.u32 $0xC00, s16  }
0x10: {  	[tilespmem:s15+$0x810 ss:$0x81] =	vst.msk $0xffff, v2;
	s31 =	sand.u32 $0x7, s13;
	s16 =	sor.u32 s17, s16;
	s17 =	sadd.s32 s3, s30  }
0x11: {  	[tilespmem:s15+$0x1020 ss:$0x81] =	vst.msk $0xffff, v0;
	s13 =	sshll.u32 s31, $0x12;
	s12 =	sadd.s32 s12, s17;
	s16 =	sshrl.u32 s16, $0x3  }
0x12: {  	[tilespmem:s15+$0x0 ss:$0x81] =	vst.msk $0xffff, v1;
	s13 =	sor.u32 $0x400, s13;
	s12 =	sadd.s32 s16, s12  }
0x13: {  	[hbm4b:s12+s13] =	stream.strided.scatter [tilespmem:s14], [sflag:$0x2], $0x2000, s8, s13, $0x20;
	[tilespmem:$0x8080] =	vst v63  }
.LBB1_5:
0x14: {  	s14 =	sadd.s32 $0x1, s9  }
0x15: {  	s12 =	sadd.s32 $0x1000, s10;
	s16 =	smov.u32 s10;
	p2 =	sgt.s32 s14, $0xC7  }
0x16: {  	s16 =	smov.u32 @p2 s12  }
0x17: {  	s14 =	simm.s32 @p2 $0x0;
	p2 =	sgt.s32 s16, $0xFFF  }
0x18: {  	s16 =	smov.u32 @p2 s2;
	p2 =	sne.s32 s11, s7  }
.Ltmp1:
0x19: {  	p1 =	slt.u32 s11, $0x2;
	(pc) =	sbr.rel @!p2 .LBB1_6-.Ltmp1, $4  }
0x1a: {  	s15 =	simm.s32 @!p1 $0x2  }
0x1b: {  	s13 =	smov.u32 s10;
	p0 =	por !p0, !p0;
	_ =	swait.ge @!p1 [sflag:s15], $0x2000  }
0x1c: {  	s12 =	smov.u32 s9;
	[sflag:s15] =	ssyncset.done @!p1 $0x0;
	s9 =	smov.u32 s14  }
0x1d: {  	s11 =	sadd.s32 $0x1, s11;
	[sflag:s15] =	ssyncadd.s32 @!p1 $0xFFFFE000;
	s10 =	smov.u32 s16  }
.LBB1_1:
0x1e: {  	p1 =	sge.u32 s11, s5  }
0x1f: {  	s14 =	sand.u32 @!p1 $0x1FFFFFF, s9  }
0x20: {  	s15 =	smulhi.u32 @!p1 $0x147AE15, s14;
	_ =	sdelay $0x1  }
0x21: {  	s15 =	smul.u32 @!p1 $0xC8, s15  }
0x22: {  	s16 =	sxor.u32 @!p1 $0xFFFFFFFF, s11;
	s17 =	smul.u32 @!p1 $0xC80, s10  }
0x23: {  	s31 =	sadd.s32 $0xFFFFFFFF, s11;
	s16 =	sshll.u32 @!p1 s16, $0xD;
	s14 =	ssub.s32 @!p1 s14, s15  }
0x24: {  	s15 =	sand.u32 @!p1 $0x2000, s16;
	s16 =	sadd.s32 @!p1 s6, s17;
	s14 =	sshll.u32 @!p1 s14, $0x4  }
0x25: {  	s17 =	simm.s32 @!p1 $0x6400;
	s14 =	sadd.s32 @!p1 s14, s16;
	s16 =	simm.s32 @!p1 $0x40  }
0x26: {  	[tilespmem:s15], [sflag:$0x1] =	stream.strided.gather @!p1 [hbm4b:s14+s16], $0x2000, s17, s16, $0x38;
	[tilespmem:$0x8080] =	vst v63  }
0x27: {  	p1 =	sge.u32 s31, s5  }
.Ltmp2:
0x28: {  	_ = 	snop;
	(pc) =	sbr.rel @p1 .LBB1_5-.Ltmp2, $1  }
0x29: {  	_ =	sdelay $0x3  }
0x2a: {  	s14 =	simm.s32 $0x1  }
0x2b: {  	_ =	swait.ge [sflag:s4], $0x2000;
	s14 =	simm.s32 @!p0 $0x0  }
0x2c: {  	[sflag:s4] =	ssyncset.done $0x0;
	s15 =	sshll.u32 s14, $0xD  }
0x2d: {  	[sflag:s4] =	ssyncadd.s32 $0xFFFFE000;
	s18 =	sor.u32 $0x20, s15  }
0x2e: {  	s14 =	smul.u32 $0x8100, s14;
	v3 =	vld [tilespmem:s18+$0x10]  }
0x2f: {  	s30 =	sand.u32 $0x1, s11;
	v2 =	vld [tilespmem:s18+$0xFFFFFFF0]  }
0x30: {  	s15 =	smul.u32 $0x8100, s30;
	s14 =	sshrl.u32 s14, $0x2;
	v0 =	vld [tilespmem:s18+$0x0]  }
0x31: {  	v1 =	vld [tilespmem:s18+$0xFFFFFFE0];
	s16 =	sor.u32 $0x4000, s14  }
0x32: {  	s31 =	sshrl.u32 s15, $0x2;
	s15 =	sadd.s32 $0x0, s16  }
0x33: {  	s17 =	simm.s32 $0x4;
	s18 =	sadd.s32 $0x40, s18;
	s14 =	sor.u32 $0x4000, s31;
	[tilespmem:s15+$0x1830 ss:$0x81] =	vst.msk $0xffff, v3  }
.LBB1_3:
0x34: {  	v3 =	vld [tilespmem:s18+$0x10];
	p1 =	sne.s32 s17, $0x1FC;
	[tilespmem:s15+$0x810 ss:$0x81] =	vst.msk $0xffff, v2;
	s19 =	smov.u32 s17;
	s17 =	sadd.s32 $0x4, s17  }
.Ltmp3:
0x35: {  	v2 =	vld [tilespmem:s18+$0xFFFFFFF0];
	[tilespmem:s15+$0x1020 ss:$0x81] =	vst.msk $0xffff, v0;
	(pc) =	sbr.rel @p1 .LBB1_3-.Ltmp3, $4  }
0x36: {  	v0 =	vld [tilespmem:s18+$0x0];
	[tilespmem:s15+$0x0 ss:$0x81] =	vst.msk $0xffff, v1  }
0x37: {  	s15 =	sshra.s32 s19, $0x2;
	v1 =	vld [tilespmem:s18+$0xFFFFFFE0]  }
0x38: {  	s15 =	sadd.s32 s15, s16  }
0x39: {  	s18 =	sadd.s32 $0x40, s18;
	[tilespmem:s15+$0x1830 ss:$0x81] =	vst.msk $0xffff, v3  }
.Ltmp4:
0x3a: {  	_ = 	snop;
	(pc) =	sbr.rel .LBB1_4-.Ltmp4, $1  }
0x3b: {  	_ =	sdelay $0x3  }
.LBB1_6:
0x3c: {  	_ =	sfence.sel $0x180000  }
0x3d: {  	s2 =	simm.s32 $0x1;
	[bflag:$0x0] =	sbarrier.arrive $0xFFFF  }
0x3e: {  	s31 =	simm.s32 $0x2;
	[sflag:s2] =	ssyncpa.u1 $0x1  }
0x3f: {  	[sflag:s31] =	ssyncpa.u1 $0x1  }
0x40: {  	p0 =	sne.s32 s0, $0x0;
	_ =	strace $0x9000004A  }
0x41: {  	s0 =	sadd.s32 @!p0 $0x100000, s1;
	[bflag:$0x2] =	sbarrier.arrive $0xFFFF  }
0x42: {  	[sflag:s0] =	ssyncadd.tile.s32 @!p0 $0x1;
	_ =	shalt  }
.Lfunc_end1:
_tile_overlayer_lowered:
.L_overlay_start_2:
0x43: {  	(tag) =	ssettag $0x2  }
0x44: {  	s0 =	rddreg [dreg:$0x0];
	s2 =	stileid.u32  }
0x45: {  	s1 =	rddreg [dreg:$0x1];
	p0 =	sne.s32 s2, $0x0  }
0x46: {  	s3 =	rddreg [dreg:$0x2];
	[bflag:$0x3] =	sbarrier.arrive $0xFFFF;
	s2 =	simm.s32 @!p0 $0x1C01  }
0x47: {  	[timem:s3], [sflag:s2] =	dma.local @!p0 [hbm:s0], s1  }
0x48: {  	s0 =	simm.s32 @!p0 $0x1  }
0x49: {  	_ =	swait.ge @!p0 [sflag:s0], s1  }
0x4a: {  	s1 =	ssub.s32 @!p0 $0x0, s1;
	[sflag:s0] =	ssyncset.done @!p0 $0x0  }
0x4b: {  	[sflag:s0] =	ssyncadd.s32 @!p0 s1  }
0x4c: {  	[bflag:$0x3] =	sbarrier.arrive $0xFFFF  }
0x4d: {  	_ =	shalt  }

</sc_bundles>
